<compile_context>
chip_gen: v7x
topology: tpu7x:2x2x1
jax: 0.10.2.dev20260603
libtpu: 0.0.44.dev20260713+nightly
codegen_flags: <defaults>
</compile_context>

<pallas_src>
import functools

import jax
import jax.numpy as jnp
from jax import lax
from jax.experimental import pallas as pl
from jax.experimental.pallas import tpu as pltpu
from jax.experimental.pallas import tpu_sc as plsc

N = 10000
E = 320000
D = 128
EPS = 1e-3

NC = 2
NS = 16
NW = NC * NS
CPW = D // NW
CH = 1280
NBKT = N // 2
LANES = 16


def _mmul(a, b):
    return jnp.dot(a.astype(jnp.bfloat16), b.astype(jnp.bfloat16),
                   preferred_element_type=jnp.float32)


def _phase1_body(x_ref, coords_ref, Woff1_ref, boff1_ref, goff1_ref,
                 beoff1_ref, Woff2_ref, boff2_ref, A_ref, B_ref, be1_ref,
                 T1_ref, T2_ref):
    x = x_ref[...]
    coords = coords_ref[...]
    h = jnp.maximum(_mmul(x, Woff1_ref[...]) + boff1_ref[...], 0.0)
    mean = jnp.mean(h, axis=0, keepdims=True)
    var = jnp.mean((h - mean) ** 2, axis=0, keepdims=True)
    hb = goff1_ref[...] * (h - mean) * lax.rsqrt(var + EPS) + beoff1_ref[...]
    offset = _mmul(hb, Woff2_ref[...]) + boff2_ref[...]
    co = coords + offset
    T1_ref[...] = (_mmul(x, A_ref[...]) + _mmul(coords, B_ref[...])
                   + be1_ref[...])
    T2_ref[...] = _mmul(co, B_ref[...])


def _phase1(x, coords, W_off1, b_off1, g_off1, be_off1, W_off2, b_off2,
            A, B, b_e1):
    return pl.pallas_call(
        _phase1_body,
        out_shape=(jax.ShapeDtypeStruct((N, D), jnp.float32),
                   jax.ShapeDtypeStruct((N, D), jnp.float32)),
    )(x, coords, W_off1, b_off1, g_off1, be_off1, W_off2, b_off2, A, B, b_e1)


NCHUNK = E // CH
NPAIR = NCHUNK // 2


def _phase2_body(T1_hbm, T2_hbm, src_hbm, dst_hbm,
                 agg_hbm, stats_hbm, T1s, T2s, aggs,
                 srcb0, dstb0, srcb1, dstb1, idbuf, statsb, sem0, sem1):
    wid = lax.axis_index("s") * NC + lax.axis_index("c")
    pltpu.sync_copy(T1_hbm.at[wid], T1s)
    pltpu.sync_copy(T2_hbm.at[wid], T2s)
    neg = jnp.full((LANES,), -jnp.inf, jnp.float32)

    def init_body(i, _):
        aggs[pl.ds(pl.multiple_of(i * LANES, LANES), LANES)] = neg
        return 0
    lax.fori_loop(0, (N * CPW) // LANES, init_body, 0)

    probe, _ = plsc.scan_count(lax.iota(jnp.int32, LANES))
    j0 = jnp.min(probe)

    def issue(ci, sb, db, sem):
        off = ci * CH
        pltpu.async_copy(src_hbm.at[pl.ds(off, CH)], sb, sem)
        pltpu.async_copy(dst_hbm.at[pl.ds(off, CH)], db, sem)

    def wait(sb, db, sem):
        pltpu.make_async_copy(src_hbm.at[pl.ds(0, CH)], sb, sem).wait()
        pltpu.make_async_copy(dst_hbm.at[pl.ds(0, CH)], db, sem).wait()

    NVEC = CH // LANES

    def load_idx(sbuf, dbuf, i):
        base = pl.multiple_of(i * LANES, LANES)
        return sbuf[pl.ds(base, LANES)], dbuf[pl.ds(base, LANES)]

    lane = lax.iota(jnp.int32, LANES)

    def detect(d16):
        b16 = lax.shift_right_logical(d16, 3)
        plsc.store_scatter(idbuf, [b16], lane)
        got = plsc.load_gather(idbuf, [b16])
        return (jnp.any(got != lane),)

    def vec_body_for(sbuf, dbuf):
        def vec_body(i, carry):
            sums = list(carry[:CPW])
            sqs = list(carry[CPW:2 * CPW])
            src16, dst16, dup, s_n, d_n = carry[2 * CPW:]
            dup_n = detect(d_n)
            sd_nn = load_idx(sbuf, dbuf, jnp.minimum(i + 2, NVEC - 1))
            nxt = (s_n, d_n) + dup_n + sd_nn
            ys = []
            for c in range(CPW):
                t1 = plsc.load_gather(T1s, [src16 + c])
                t2 = plsc.load_gather(T2s, [dst16 + c])
                y = jnp.maximum(t1 - t2, 0.0)
                sums[c] = sums[c] + y
                sqs[c] = sqs[c] + y * y
                ys.append(y)
            m1 = jnp.logical_not(jnp.broadcast_to(dup, (LANES,)))
            olds = [plsc.load_gather(aggs, [dst16 + c]) for c in range(CPW)]
            for c in range(CPW):
                plsc.store_scatter(aggs, [dst16 + c],
                                   jnp.maximum(olds[c], ys[c]), mask=m1)

            @pl.when(dup)
            def _slow_path():
                counts, _ = plsc.scan_count(dst16)

                def cond(j):
                    return jnp.any(counts >= j)

                def pass_body(j):
                    m = counts == j
                    for c in range(CPW):
                        old = plsc.load_gather(aggs, [dst16 + c])
                        plsc.store_scatter(aggs, [dst16 + c],
                                           jnp.maximum(old, ys[c]), mask=m)
                    return j + 1

                lax.while_loop(cond, pass_body, j0)

            return tuple(sums) + tuple(sqs) + nxt
        return vec_body

    vb0 = vec_body_for(srcb0, dstb0)
    vb1 = vec_body_for(srcb1, dstb1)

    issue(0, srcb0, dstb0, sem0)

    def prologue(sbuf, dbuf):
        s0, d0 = load_idx(sbuf, dbuf, 0)
        s1, d1 = load_idx(sbuf, dbuf, 1)
        return (s0, d0) + detect(d0) + (s1, d1)

    def pair_body(p, carry):
        issue(2 * p + 1, srcb1, dstb1, sem1)
        wait(srcb0, dstb0, sem0)
        carry = carry[:2 * CPW] + prologue(srcb0, dstb0)
        carry = lax.fori_loop(0, NVEC, vb0, carry, unroll=2)

        @pl.when(p < NPAIR - 1)
        def _prefetch_chunk():
            issue(2 * p + 2, srcb0, dstb0, sem0)

        wait(srcb1, dstb1, sem1)
        carry = carry[:2 * CPW] + prologue(srcb1, dstb1)
        carry = lax.fori_loop(0, NVEC, vb1, carry, unroll=2)
        return carry

    zero = jnp.zeros((LANES,), jnp.float32)
    zi = jnp.zeros((LANES,), jnp.int32)
    carry0 = ((zero,) * (2 * CPW)
              + (zi, zi, jnp.bool_(False), zi, zi))
    carry = lax.fori_loop(0, NPAIR, pair_body, carry0)
    for j in range(2 * CPW):
        statsb[pl.ds(j * LANES, LANES)] = carry[j]
    pltpu.sync_copy(statsb, stats_hbm.at[wid])
    pltpu.sync_copy(aggs, agg_hbm.at[wid])


def _phase2(T1t, T2t, src, dst):
    mesh = plsc.VectorSubcoreMesh(core_axis_name="c", subcore_axis_name="s")
    kfn = pl.kernel(
        _phase2_body,
        out_type=(jax.ShapeDtypeStruct((NW, N * CPW), jnp.float32),
                  jax.ShapeDtypeStruct((NW, 2 * CPW * LANES), jnp.float32)),
        mesh=mesh,
        compiler_params=pltpu.CompilerParams(needs_layout_passes=False),
        scratch_types=[
            pltpu.VMEM((N * CPW,), jnp.float32),
            pltpu.VMEM((N * CPW,), jnp.float32),
            pltpu.VMEM((N * CPW,), jnp.float32),
            pltpu.VMEM((CH,), jnp.int32),
            pltpu.VMEM((CH,), jnp.int32),
            pltpu.VMEM((CH,), jnp.int32),
            pltpu.VMEM((CH,), jnp.int32),
            pltpu.VMEM((NBKT,), jnp.int32),
            pltpu.VMEM((2 * CPW * LANES,), jnp.float32),
            pltpu.SemaphoreType.DMA,
            pltpu.SemaphoreType.DMA,
        ],
    )
    return kfn(T1t, T2t, src, dst)


def _phase3_body(agg_ref, stats_ref, x_ref, ge1_ref, bee1_ref, Wu1_ref,
                 bu1_ref, gu1_ref, beu1_ref, Wu2_ref, bu2_ref, out_ref):
    stats = stats_ref[...]
    kk = lax.broadcasted_iota(jnp.int32, (D, NW), 0)
    ww = lax.broadcasted_iota(jnp.int32, (D, NW), 1)
    G1 = jnp.where(kk // CPW == ww, 1.0, 0.0)
    R = jnp.dot(G1, stats, preferred_element_type=jnp.float32, precision=lax.Precision.HIGHEST)
    km = lax.broadcasted_iota(jnp.int32, (D, D), 0)
    mm = lax.broadcasted_iota(jnp.int32, (D, D), 1)
    msk_s = mm // LANES == km % CPW
    msk_q = mm // LANES == CPW + km % CPW
    S_col = jnp.sum(jnp.where(msk_s, R, 0.0), axis=1, keepdims=True)
    Q_col = jnp.sum(jnp.where(msk_q, R, 0.0), axis=1, keepdims=True)
    I_d = jnp.where(km == mm, 1.0, 0.0)
    ones_row = jnp.ones((1, D), jnp.float32)
    S = jnp.dot(ones_row, S_col * I_d, preferred_element_type=jnp.float32, precision=lax.Precision.HIGHEST)
    Q = jnp.dot(ones_row, Q_col * I_d, preferred_element_type=jnp.float32, precision=lax.Precision.HIGHEST)
    em = S / E
    ev = jnp.maximum(Q / E - em * em, 0.0)
    agg = agg_ref[...]
    agg_bn = ge1_ref[...] * (agg - em) * lax.rsqrt(ev + EPS) + bee1_ref[...]
    u = jnp.maximum(_mmul(agg_bn, Wu1_ref[...]) + bu1_ref[...], 0.0)
    um = jnp.mean(u, axis=0, keepdims=True)
    uv = jnp.mean((u - um) ** 2, axis=0, keepdims=True)
    ub = gu1_ref[...] * (u - um) * lax.rsqrt(uv + EPS) + beu1_ref[...]
    out_ref[...] = _mmul(ub, Wu2_ref[...]) + bu2_ref[...] + x_ref[...]


def _phase3(agg, stats, x, g_e1, be_e1, W_u1, b_u1, g_u1, be_u1, W_u2, b_u2):
    return pl.pallas_call(
        _phase3_body,
        out_shape=jax.ShapeDtypeStruct((N, D), jnp.float32),
    )(agg, stats, x, g_e1, be_e1, W_u1, b_u1, g_u1, be_u1, W_u2, b_u2)


def kernel(x, coords, edges, not_used, W_off1, b_off1, g_off1, be_off1,
           W_off2, b_off2, W_e1, b_e1, g_e1, be_e1, W_u1, b_u1, g_u1, be_u1,
           W_u2, b_u2):
    src = edges[:, 0] * CPW
    dst = edges[:, 1] * CPW
    A = W_e1[:D]
    B = W_e1[D:]
    row = lambda v: v.reshape(1, -1)
    T1, T2 = _phase1(x, coords, W_off1, row(b_off1), row(g_off1),
                     row(be_off1), W_off2, row(b_off2), A, B, row(b_e1))
    to_t = lambda T: (T.reshape(N, NW, CPW).transpose(1, 0, 2)
                      .reshape(NW, N * CPW))
    aggt, stats = _phase2(to_t(T1), to_t(T2), src, dst)
    agg = aggt.reshape(NW, N, CPW).transpose(1, 0, 2).reshape(N, D)
    out = _phase3(agg, stats, x, row(g_e1), row(be_e1), W_u1, row(b_u1),
                  row(g_u1), row(be_u1), W_u2, row(b_u2))
    return out

# --- scband reference (transcript-rebuilt; emitter-appended) ---
"""Pipeline reference for scband-graph-net-auto-center-67482526155001 (READ-ONLY COPY).

The authoritative reference and input builder live on the scoring server;
editing this copy changes nothing except your own understanding.
"""

import jax, jax.numpy as jnp
import numpy as np

N, E, D = 10000, 320000, 128

def _bn(x, gamma, beta, eps=1e-3):
    mean = jnp.mean(x, axis=0, keepdims=True)
    var = jnp.var(x, axis=0, keepdims=True)
    return gamma * (x - mean) * jax.lax.rsqrt(var + eps) + beta

def _glorot(k, shape):
    lim = np.sqrt(6.0 / (shape[0] + shape[1]))
    return jax.random.uniform(k, shape, jnp.float32, -lim, lim)

def setup_inputs(seed: int = 0) -> dict:
    key = jax.random.key(seed)
    ks = jax.random.split(key, 16)
    inp = {}
    inp['x'] = jax.random.normal(ks[0], (N, D), jnp.float32)
    inp['coords'] = jax.random.normal(ks[1], (N, 3), jnp.float32)
    inp['edges'] = jax.random.randint(ks[2], (E, 2), 0, N, dtype=jnp.int32)
    inp['not_used'] = jnp.zeros((1,), jnp.int32)
    # auto-offset MLP (is_logits=True, Ks=[64, 3])
    inp['W_off1'] = _glorot(ks[3], (D, 64)); inp['b_off1'] = jnp.zeros((64,), jnp.float32)
    inp['g_off1'] = jnp.ones((64,), jnp.float32); inp['be_off1'] = jnp.zeros((64,), jnp.float32)
    inp['W_off2'] = _glorot(ks[4], (64, 3)); inp['b_off2'] = jnp.zeros((3,), jnp.float32)
    # edge MLP (is_logits=False, Ks=[128]), input dim D+3
    inp['W_e1'] = _glorot(ks[5], (D + 3, 128)); inp['b_e1'] = jnp.zeros((128,), jnp.float32)
    inp['g_e1'] = jnp.ones((128,), jnp.float32); inp['be_e1'] = jnp.zeros((128,), jnp.float32)
    # update MLP (is_logits=True, Ks=[128, 128])
    inp['W_u1'] = _glorot(ks[6], (128, 128)); inp['b_u1'] = jnp.zeros((128,), jnp.float32)
    inp['g_u1'] = jnp.ones((128,), jnp.float32); inp['be_u1'] = jnp.zeros((128,), jnp.float32)
    inp['W_u2'] = _glorot(ks[7], (128, D)); inp['b_u2'] = jnp.zeros((D,), jnp.float32)
    return inp

def reference(x, coords, edges, not_used, W_off1, b_off1, g_off1, be_off1, W_off2, b_off2, W_e1, b_e1, g_e1, be_e1, W_u1, b_u1, g_u1, be_u1, W_u2, b_u2):
    src = edges[:, 0]
    dst = edges[:, 1]
    # gather source features and source coordinates (pre-offset)
    s_feat = jnp.take(x, src, axis=0)
    s_coord = jnp.take(coords, src, axis=0)
    # auto_offset MLP on vertex features, applied to coordinates
    h = jax.nn.relu(x @ W_off1 + b_off1)
    h = _bn(h, g_off1, be_off1)
    offset = h @ W_off2 + b_off2
    coords_off = coords + offset
    d_coord = jnp.take(coords_off, dst, axis=0)
    # edge features
    ef = jnp.concatenate([s_feat, s_coord - d_coord], axis=-1)
    ef = _bn(jax.nn.relu(ef @ W_e1 + b_e1), g_e1, be_e1)
    # scatter-max aggregation to destination vertices
    agg = jax.ops.segment_max(ef, dst, num_segments=x.shape[0])
    # update MLP + residual
    u = _bn(jax.nn.relu(agg @ W_u1 + b_u1), g_u1, be_u1)
    u = u @ W_u2 + b_u2
    return u + x

if __name__ == "__main__":
    import jax
    _d = setup_inputs()
    print(jax.jit(kernel)(*tuple(_d.values())))

</pallas_src>

<mosaic_0001>
#map = affine_map<(d0, d1) -> (0, 0)>
#map1 = affine_map<(d0, d1) -> (0)>
module attributes {stable_mosaic.version = 14 : i64} {
  func.func @_phase2_body(%arg0: i32, %arg1: i32, %arg2: memref<32x40000xf32, #tpu.memory_space<hbm>>, %arg3: memref<32x40000xf32, #tpu.memory_space<hbm>>, %arg4: memref<320000xi32, #tpu.memory_space<hbm>>, %arg5: memref<320000xi32, #tpu.memory_space<hbm>>, %arg6: memref<32x40000xf32, #tpu.memory_space<hbm>>, %arg7: memref<32x128xf32, #tpu.memory_space<hbm>>, %arg8: memref<40000xf32, #tpu.memory_space<vmem>>, %arg9: memref<40000xf32, #tpu.memory_space<vmem>>, %arg10: memref<40000xf32, #tpu.memory_space<vmem>>, %arg11: memref<1280xi32, #tpu.memory_space<vmem>>, %arg12: memref<1280xi32, #tpu.memory_space<vmem>>, %arg13: memref<1280xi32, #tpu.memory_space<vmem>>, %arg14: memref<1280xi32, #tpu.memory_space<vmem>>, %arg15: memref<5000xi32, #tpu.memory_space<vmem>>, %arg16: memref<128xf32, #tpu.memory_space<vmem>>, %arg17: memref<!tpu.dma_semaphore, #tpu.memory_space<semaphore_mem>>, %arg18: memref<!tpu.dma_semaphore, #tpu.memory_space<semaphore_mem>>) attributes {dimension_semantics = [#tpu.dimension_semantics<core_parallel>, #tpu.dimension_semantics<subcore_parallel>], iteration_bounds = array<i64: 2, 16>, scalar_prefetch = 0 : i64, scratch_operands = 11 : i64, tpu.core_type = #tpu.core_type<sc_vector_subcore>, window_params = [{transform_indices = #map}, {transform_indices = #map}, {transform_indices = #map1}, {transform_indices = #map1}, {transform_indices = #map}, {transform_indices = #map}]} {
    %mul3A = arith.constant 2 : i32
    %mul3A_0 = arith.muli %arg1, %mul3A : i32
    %add3A = arith.addi %mul3A_0, %arg0 : i32
    "tpu.region"() ({
      %run_scoped3A = tpu.sem_alloc : memref<!tpu.dma_semaphore, #tpu.memory_space<semaphore_mem>>
      %dma_start3A_52 = arith.constant 0 : i32
      %dma_start3A_53 = tpu.memref_slice %arg2[%add3A, %dma_start3A_52] : memref<32x40000xf32, #tpu.memory_space<hbm>> -> memref<1x40000xf32, #tpu.memory_space<hbm>>
      %dma_start3A_54 = tpu.memref_squeeze %dma_start3A_53 : memref<1x40000xf32, #tpu.memory_space<hbm>> -> memref<40000xf32, #tpu.memory_space<hbm>>
      %dma_start3A_55 = arith.constant 0 : i32
      %dma_start3A_56 = tpu.memref_slice %arg2[%add3A, %dma_start3A_55] : memref<32x40000xf32, #tpu.memory_space<hbm>> -> memref<1x40000xf32, #tpu.memory_space<hbm>>
      %dma_start3A_57 = tpu.memref_squeeze %dma_start3A_56 : memref<1x40000xf32, #tpu.memory_space<hbm>> -> memref<40000xf32, #tpu.memory_space<hbm>>
      tpu.enqueue_dma source(%dma_start3A_57 : memref<40000xf32, #tpu.memory_space<hbm>>) target(%arg8 : memref<40000xf32, #tpu.memory_space<vmem>>) target_semaphore(%run_scoped3A : memref<!tpu.dma_semaphore, #tpu.memory_space<semaphore_mem>>)
      %dma_wait3A = arith.constant 0 : i32
      %dma_wait3A_58 = tpu.memref_slice %arg2[%add3A, %dma_wait3A] : memref<32x40000xf32, #tpu.memory_space<hbm>> -> memref<1x40000xf32, #tpu.memory_space<hbm>>
      %dma_wait3A_59 = tpu.memref_squeeze %dma_wait3A_58 : memref<1x40000xf32, #tpu.memory_space<hbm>> -> memref<40000xf32, #tpu.memory_space<hbm>>
      %dma_wait3A_60 = arith.constant 0 : i32
      %dma_wait3A_61 = tpu.memref_slice %arg2[%add3A, %dma_wait3A_60] : memref<32x40000xf32, #tpu.memory_space<hbm>> -> memref<1x40000xf32, #tpu.memory_space<hbm>>
      %dma_wait3A_62 = tpu.memref_squeeze %dma_wait3A_61 : memref<1x40000xf32, #tpu.memory_space<hbm>> -> memref<40000xf32, #tpu.memory_space<hbm>>
      tpu.wait_dma2 semaphore(%run_scoped3A : memref<!tpu.dma_semaphore, #tpu.memory_space<semaphore_mem>>) src(%dma_wait3A_62 : memref<40000xf32, #tpu.memory_space<hbm>>) dst(%arg8 : memref<40000xf32, #tpu.memory_space<vmem>>)
      tpu.yield
    }) : () -> ()
    "tpu.region"() ({
      %run_scoped3A = tpu.sem_alloc : memref<!tpu.dma_semaphore, #tpu.memory_space<semaphore_mem>>
      %dma_start3A_52 = arith.constant 0 : i32
      %dma_start3A_53 = tpu.memref_slice %arg3[%add3A, %dma_start3A_52] : memref<32x40000xf32, #tpu.memory_space<hbm>> -> memref<1x40000xf32, #tpu.memory_space<hbm>>
      %dma_start3A_54 = tpu.memref_squeeze %dma_start3A_53 : memref<1x40000xf32, #tpu.memory_space<hbm>> -> memref<40000xf32, #tpu.memory_space<hbm>>
      %dma_start3A_55 = arith.constant 0 : i32
      %dma_start3A_56 = tpu.memref_slice %arg3[%add3A, %dma_start3A_55] : memref<32x40000xf32, #tpu.memory_space<hbm>> -> memref<1x40000xf32, #tpu.memory_space<hbm>>
      %dma_start3A_57 = tpu.memref_squeeze %dma_start3A_56 : memref<1x40000xf32, #tpu.memory_space<hbm>> -> memref<40000xf32, #tpu.memory_space<hbm>>
      tpu.enqueue_dma source(%dma_start3A_57 : memref<40000xf32, #tpu.memory_space<hbm>>) target(%arg9 : memref<40000xf32, #tpu.memory_space<vmem>>) target_semaphore(%run_scoped3A : memref<!tpu.dma_semaphore, #tpu.memory_space<semaphore_mem>>)
      %dma_wait3A = arith.constant 0 : i32
      %dma_wait3A_58 = tpu.memref_slice %arg3[%add3A, %dma_wait3A] : memref<32x40000xf32, #tpu.memory_space<hbm>> -> memref<1x40000xf32, #tpu.memory_space<hbm>>
      %dma_wait3A_59 = tpu.memref_squeeze %dma_wait3A_58 : memref<1x40000xf32, #tpu.memory_space<hbm>> -> memref<40000xf32, #tpu.memory_space<hbm>>
      %dma_wait3A_60 = arith.constant 0 : i32
      %dma_wait3A_61 = tpu.memref_slice %arg3[%add3A, %dma_wait3A_60] : memref<32x40000xf32, #tpu.memory_space<hbm>> -> memref<1x40000xf32, #tpu.memory_space<hbm>>
      %dma_wait3A_62 = tpu.memref_squeeze %dma_wait3A_61 : memref<1x40000xf32, #tpu.memory_space<hbm>> -> memref<40000xf32, #tpu.memory_space<hbm>>
      tpu.wait_dma2 semaphore(%run_scoped3A : memref<!tpu.dma_semaphore, #tpu.memory_space<semaphore_mem>>) src(%dma_wait3A_62 : memref<40000xf32, #tpu.memory_space<hbm>>) dst(%arg9 : memref<40000xf32, #tpu.memory_space<vmem>>)
      tpu.yield
    }) : () -> ()
    %broadcast_in_dim3A = arith.constant 0xFF800000 : f32
    %broadcast_in_dim3A_1 = vector.broadcast %broadcast_in_dim3A : f32 to vector<16xf32>
    %scan3A = arith.constant 0 : i32
    %scan3A_2 = arith.constant 0 : i32
    %scan3A_3 = arith.constant 2500 : i32
    %scan3A_4 = arith.addi %scan3A_2, %scan3A_3 : i32
    %scan3A_5 = arith.constant 1 : i32
    %scan3A_6 = scf.for %scan3A_52 = %scan3A_2 to %scan3A_4 step %scan3A_5 iter_args(%scan3A_53 = %scan3A) -> (i32)  : i32 {
      %mul3A_54 = arith.constant 16 : i32
      %mul3A_55 = arith.muli %scan3A_52, %mul3A_54 : i32
      %multiple_of3A = tpu.assume_multiple %mul3A_55, 16 : i32
      %swap3A_56 = arith.index_cast %multiple_of3A : i32 to index
      %swap3A_57 = tpu.vector_load %arg10[%swap3A_56] {strides = array<i32>} : memref<40000xf32, #tpu.memory_space<vmem>>, vector<16xf32>,
      tpu.vector_store %arg10[%swap3A_56], %broadcast_in_dim3A_1 {strides = array<i32>} : memref<40000xf32, #tpu.memory_space<vmem>>, vector<16xf32>,
      %scan3A_58 = arith.constant 0 : i32
      scf.yield %scan3A_58 : i32
    }
    %scan3A_7 = arith.constant 2500 : i32
    %iota3A = tpu.iota {dimensions = array<i32: 0>} : vector<16xi32>
    %broadcast_in_dim3A_8 = arith.constant true
    %broadcast_in_dim3A_9 = vector.broadcast %broadcast_in_dim3A_8 : i1 to vector<16xi1>
    %unique3A, %unique3A_10 = tpu.scan_count mask(%broadcast_in_dim3A_9 : vector<16xi1>) value(%iota3A : vector<16xi32>) : vector<16xi1>, vector<16xi32>
    %reduce_min3A = arith.constant true
    %reduce_min3A_11 = vector.broadcast %reduce_min3A : i1 to vector<16xi1>
    %reduce_min3A_12 = arith.constant -2147483648 : i32
    %reduce_min3A_13 = vector.broadcast %reduce_min3A_12 : i32 to vector<16xi32>
    %reduce_min3A_14 = arith.xori %unique3A_10, %reduce_min3A_13 : vector<16xi32>
    %reduce_min3A_15 = tpu.scan <min>, %reduce_min3A_14 masked %reduce_min3A_11 : vector<16xi32>, vector<16xi1> -> vector<16xi32>
    %reduce_min3A_16 = arith.xori %reduce_min3A_15, %reduce_min3A_13 : vector<16xi32>
    %reduce_min3A_17 = vector.extract %reduce_min3A_16[15] : i32 from vector<16xi32>
    %iota3A_18 = tpu.iota {dimensions = array<i32: 0>} : vector<16xi32>
    %dma_start3A = arith.constant 0 : i32
    %dma_start3A_19 = tpu.memref_slice %arg4[%dma_start3A] : memref<320000xi32, #tpu.memory_space<hbm>> -> memref<1280xi32, #tpu.memory_space<hbm>>
    %dma_start3A_20 = arith.constant 0 : i32
    %dma_start3A_21 = tpu.memref_slice %arg4[%dma_start3A_20] : memref<320000xi32, #tpu.memory_space<hbm>> -> memref<1280xi32, #tpu.memory_space<hbm>>
    tpu.enqueue_dma source(%dma_start3A_21 : memref<1280xi32, #tpu.memory_space<hbm>>) target(%arg11 : memref<1280xi32, #tpu.memory_space<vmem>>) target_semaphore(%arg17 : memref<!tpu.dma_semaphore, #tpu.memory_space<semaphore_mem>>)
    %dma_start3A_22 = arith.constant 0 : i32
    %dma_start3A_23 = tpu.memref_slice %arg5[%dma_start3A_22] : memref<320000xi32, #tpu.memory_space<hbm>> -> memref<1280xi32, #tpu.memory_space<hbm>>
    %dma_start3A_24 = arith.constant 0 : i32
    %dma_start3A_25 = tpu.memref_slice %arg5[%dma_start3A_24] : memref<320000xi32, #tpu.memory_space<hbm>> -> memref<1280xi32, #tpu.memory_space<hbm>>
    tpu.enqueue_dma source(%dma_start3A_25 : memref<1280xi32, #tpu.memory_space<hbm>>) target(%arg12 : memref<1280xi32, #tpu.memory_space<vmem>>) target_semaphore(%arg17 : memref<!tpu.dma_semaphore, #tpu.memory_space<semaphore_mem>>)
    %broadcast_in_dim3A_26 = arith.constant 0.000000e+00 : f32
    %broadcast_in_dim3A_27 = vector.broadcast %broadcast_in_dim3A_26 : f32 to vector<16xf32>
    %broadcast_in_dim3A_28 = arith.constant 0 : i32
    %broadcast_in_dim3A_29 = vector.broadcast %broadcast_in_dim3A_28 : i32 to vector<16xi32>
    %scan3A_30 = arith.constant false
    %scan3A_31 = arith.constant 0 : i32
    %scan3A_32 = arith.constant 125 : i32
    %scan3A_33 = arith.addi %scan3A_31, %scan3A_32 : i32
    %scan3A_34 = arith.constant 1 : i32
    %scan3A_35:13 = scf.for %scan3A_52 = %scan3A_31 to %scan3A_33 step %scan3A_34 iter_args(%scan3A_53 = %broadcast_in_dim3A_27, %scan3A_54 = %broadcast_in_dim3A_27, %scan3A_55 = %broadcast_in_dim3A_27, %scan3A_56 = %broadcast_in_dim3A_27, %scan3A_57 = %broadcast_in_dim3A_27, %scan3A_58 = %broadcast_in_dim3A_27, %scan3A_59 = %broadcast_in_dim3A_27, %scan3A_60 = %broadcast_in_dim3A_27, %scan3A_61 = %broadcast_in_dim3A_29, %scan3A_62 = %broadcast_in_dim3A_29, %scan3A_63 = %scan3A_30, %scan3A_64 = %broadcast_in_dim3A_29, %scan3A_65 = %broadcast_in_dim3A_29) -> (vector<16xf32>, vector<16xf32>, vector<16xf32>, vector<16xf32>, vector<16xf32>, vector<16xf32>, vector<16xf32>, vector<16xf32>, vector<16xi32>, vector<16xi32>, i1, vector<16xi32>, vector<16xi32>)  : i32 {
      %mul3A_66 = arith.constant 2 : i32
      %mul3A_67 = arith.muli %mul3A_66, %scan3A_52 : i32
      %add3A_68 = arith.constant 1 : i32
      %add3A_69 = arith.addi %mul3A_67, %add3A_68 : i32
      %mul3A_70 = arith.constant 1280 : i32
      %mul3A_71 = arith.muli %add3A_69, %mul3A_70 : i32
      %dma_start3A_72 = tpu.memref_slice %arg4[%mul3A_71] : memref<320000xi32, #tpu.memory_space<hbm>> -> memref<1280xi32, #tpu.memory_space<hbm>>
      %dma_start3A_73 = tpu.memref_slice %arg4[%mul3A_71] : memref<320000xi32, #tpu.memory_space<hbm>> -> memref<1280xi32, #tpu.memory_space<hbm>>
      tpu.enqueue_dma source(%dma_start3A_73 : memref<1280xi32, #tpu.memory_space<hbm>>) target(%arg13 : memref<1280xi32, #tpu.memory_space<vmem>>) target_semaphore(%arg18 : memref<!tpu.dma_semaphore, #tpu.memory_space<semaphore_mem>>)
      %dma_start3A_74 = tpu.memref_slice %arg5[%mul3A_71] : memref<320000xi32, #tpu.memory_space<hbm>> -> memref<1280xi32, #tpu.memory_space<hbm>>
      %dma_start3A_75 = tpu.memref_slice %arg5[%mul3A_71] : memref<320000xi32, #tpu.memory_space<hbm>> -> memref<1280xi32, #tpu.memory_space<hbm>>
      tpu.enqueue_dma source(%dma_start3A_75 : memref<1280xi32, #tpu.memory_space<hbm>>) target(%arg14 : memref<1280xi32, #tpu.memory_space<vmem>>) target_semaphore(%arg18 : memref<!tpu.dma_semaphore, #tpu.memory_space<semaphore_mem>>)
      %dma_wait3A = arith.constant 0 : i32
      %dma_wait3A_76 = tpu.memref_slice %arg4[%dma_wait3A] : memref<320000xi32, #tpu.memory_space<hbm>> -> memref<1280xi32, #tpu.memory_space<hbm>>
      %dma_wait3A_77 = arith.constant 0 : i32
      %dma_wait3A_78 = tpu.memref_slice %arg4[%dma_wait3A_77] : memref<320000xi32, #tpu.memory_space<hbm>> -> memref<1280xi32, #tpu.memory_space<hbm>>
      tpu.wait_dma2 semaphore(%arg17 : memref<!tpu.dma_semaphore, #tpu.memory_space<semaphore_mem>>) src(%dma_wait3A_78 : memref<1280xi32, #tpu.memory_space<hbm>>) dst(%arg11 : memref<1280xi32, #tpu.memory_space<vmem>>)
      %dma_wait3A_79 = arith.constant 0 : i32
      %dma_wait3A_80 = tpu.memref_slice %arg5[%dma_wait3A_79] : memref<320000xi32, #tpu.memory_space<hbm>> -> memref<1280xi32, #tpu.memory_space<hbm>>
      %dma_wait3A_81 = arith.constant 0 : i32
      %dma_wait3A_82 = tpu.memref_slice %arg5[%dma_wait3A_81] : memref<320000xi32, #tpu.memory_space<hbm>> -> memref<1280xi32, #tpu.memory_space<hbm>>
      tpu.wait_dma2 semaphore(%arg17 : memref<!tpu.dma_semaphore, #tpu.memory_space<semaphore_mem>>) src(%dma_wait3A_82 : memref<1280xi32, #tpu.memory_space<hbm>>) dst(%arg12 : memref<1280xi32, #tpu.memory_space<vmem>>)
      %multiple_of3A = arith.constant 0 : i32
      %multiple_of3A_83 = tpu.assume_multiple %multiple_of3A, 16 : i32
      %get3A = arith.index_cast %multiple_of3A_83 : i32 to index
      %get3A_84 = tpu.vector_load %arg11[%get3A] {strides = array<i32>} : memref<1280xi32, #tpu.memory_space<vmem>>, vector<16xi32>,
      %get3A_85 = arith.index_cast %multiple_of3A_83 : i32 to index
      %get3A_86 = tpu.vector_load %arg12[%get3A_85] {strides = array<i32>} : memref<1280xi32, #tpu.memory_space<vmem>>, vector<16xi32>,
      %multiple_of3A_87 = arith.constant 16 : i32
      %multiple_of3A_88 = tpu.assume_multiple %multiple_of3A_87, 16 : i32
      %get3A_89 = arith.index_cast %multiple_of3A_88 : i32 to index
      %get3A_90 = tpu.vector_load %arg11[%get3A_89] {strides = array<i32>} : memref<1280xi32, #tpu.memory_space<vmem>>, vector<16xi32>,
      %get3A_91 = arith.index_cast %multiple_of3A_88 : i32 to index
      %get3A_92 = tpu.vector_load %arg12[%get3A_91] {strides = array<i32>} : memref<1280xi32, #tpu.memory_space<vmem>>, vector<16xi32>,
      %shift_right_logical3A = arith.constant 3 : i32
      %shift_right_logical3A_93 = vector.broadcast %shift_right_logical3A : i32 to vector<16xi32>
      %shift_right_logical3A_94 = arith.shrui %get3A_86, %shift_right_logical3A_93 : vector<16xi32>
      tpu.vector_store_idx %arg15[%shift_right_logical3A_94], %iota3A_18 : memref<5000xi32, #tpu.memory_space<vmem>>[vector<16xi32>], vector<16xi32>,
      %gather3A = tpu.vector_load_idx %arg15[%shift_right_logical3A_94] : memref<5000xi32, #tpu.memory_space<vmem>>[vector<16xi32>], vector<16xi32>,
      %ne3A = arith.cmpi ne, %gather3A, %iota3A_18 : vector<16xi32>
      %reduce_or3A = arith.constant 1.000000e+00 : f32
      %reduce_or3A_95 = arith.constant 0.000000e+00 : f32
      %reduce_or3A_96 = vector.broadcast %reduce_or3A : f32 to vector<16xf32>
      %reduce_or3A_97 = vector.broadcast %reduce_or3A_95 : f32 to vector<16xf32>
      %reduce_or3A_98 = arith.select %ne3A, %reduce_or3A_96, %reduce_or3A_97 : vector<16xi1>, vector<16xf32>
      %reduce_or3A_99 = arith.constant true
      %reduce_or3A_100 = vector.broadcast %reduce_or3A_99 : i1 to vector<16xi1>
      %reduce_or3A_101 = tpu.scan <max>, %reduce_or3A_98 masked %reduce_or3A_100 : vector<16xf32>, vector<16xi1> -> vector<16xf32>
      %reduce_or3A_102 = vector.extract %reduce_or3A_101[15] : f32 from vector<16xf32>
      %reduce_or3A_103 = arith.constant 0.000000e+00 : f32
      %reduce_or3A_104 = arith.cmpf ogt, %reduce_or3A_102, %reduce_or3A_103 : f32
      %scan3A_105 = arith.constant 0 : i32
      %scan3A_106 = arith.constant 80 : i32
      %scan3A_107 = arith.addi %scan3A_105, %scan3A_106 : i32
      %scan3A_108 = arith.constant 2 : i32
      %scan3A_109:13 = scf.for %scan3A_155 = %scan3A_105 to %scan3A_107 step %scan3A_108 iter_args(%scan3A_156 = %scan3A_53, %scan3A_157 = %scan3A_54, %scan3A_158 = %scan3A_55, %scan3A_159 = %scan3A_56, %scan3A_160 = %scan3A_57, %scan3A_161 = %scan3A_58, %scan3A_162 = %scan3A_59, %scan3A_163 = %scan3A_60, %scan3A_164 = %get3A_84, %scan3A_165 = %get3A_86, %scan3A_166 = %reduce_or3A_104, %scan3A_167 = %get3A_90, %scan3A_168 = %get3A_92) -> (vector<16xf32>, vector<16xf32>, vector<16xf32>, vector<16xf32>, vector<16xf32>, vector<16xf32>, vector<16xf32>, vector<16xf32>, vector<16xi32>, vector<16xi32>, i1, vector<16xi32>, vector<16xi32>)  : i32 {
        %shift_right_logical3A_169 = arith.constant 3 : i32
        %shift_right_logical3A_170 = vector.broadcast %shift_right_logical3A_169 : i32 to vector<16xi32>
        %shift_right_logical3A_171 = arith.shrui %scan3A_168, %shift_right_logical3A_170 : vector<16xi32>
        tpu.vector_store_idx %arg15[%shift_right_logical3A_171], %iota3A_18 : memref<5000xi32, #tpu.memory_space<vmem>>[vector<16xi32>], vector<16xi32>,
        %gather3A_172 = tpu.vector_load_idx %arg15[%shift_right_logical3A_171] : memref<5000xi32, #tpu.memory_space<vmem>>[vector<16xi32>], vector<16xi32>,
        %ne3A_173 = arith.cmpi ne, %gather3A_172, %iota3A_18 : vector<16xi32>
        %reduce_or3A_174 = arith.constant 1.000000e+00 : f32
        %reduce_or3A_175 = arith.constant 0.000000e+00 : f32
        %reduce_or3A_176 = vector.broadcast %reduce_or3A_174 : f32 to vector<16xf32>
        %reduce_or3A_177 = vector.broadcast %reduce_or3A_175 : f32 to vector<16xf32>
        %reduce_or3A_178 = arith.select %ne3A_173, %reduce_or3A_176, %reduce_or3A_177 : vector<16xi1>, vector<16xf32>
        %reduce_or3A_179 = arith.constant true
        %reduce_or3A_180 = vector.broadcast %reduce_or3A_179 : i1 to vector<16xi1>
        %reduce_or3A_181 = tpu.scan <max>, %reduce_or3A_178 masked %reduce_or3A_180 : vector<16xf32>, vector<16xi1> -> vector<16xf32>
        %reduce_or3A_182 = vector.extract %reduce_or3A_181[15] : f32 from vector<16xf32>
        %reduce_or3A_183 = arith.constant 0.000000e+00 : f32
        %reduce_or3A_184 = arith.cmpf ogt, %reduce_or3A_182, %reduce_or3A_183 : f32
        %add3A_185 = arith.constant 2 : i32
        %add3A_186 = arith.addi %scan3A_155, %add3A_185 : i32
        %min3A = arith.constant 79 : i32
        %min3A_187 = arith.minsi %add3A_186, %min3A : i32
        %mul3A_188 = arith.constant 16 : i32
        %mul3A_189 = arith.muli %min3A_187, %mul3A_188 : i32
        %multiple_of3A_190 = tpu.assume_multiple %mul3A_189, 16 : i32
        %get3A_191 = arith.index_cast %multiple_of3A_190 : i32 to index
        %get3A_192 = tpu.vector_load %arg11[%get3A_191] {strides = array<i32>} : memref<1280xi32, #tpu.memory_space<vmem>>, vector<16xi32>,
        %get3A_193 = arith.index_cast %multiple_of3A_190 : i32 to index
        %get3A_194 = tpu.vector_load %arg12[%get3A_193] {strides = array<i32>} : memref<1280xi32, #tpu.memory_space<vmem>>, vector<16xi32>,
        %add3A_195 = arith.constant 0 : i32
        %add3A_196 = vector.broadcast %add3A_195 : i32 to vector<16xi32>
        %add3A_197 = arith.addi %scan3A_164, %add3A_196 : vector<16xi32>
        %gather3A_198 = tpu.vector_load_idx %arg8[%add3A_197] : memref<40000xf32, #tpu.memory_space<vmem>>[vector<16xi32>], vector<16xf32>,
        %add3A_199 = arith.constant 0 : i32
        %add3A_200 = vector.broadcast %add3A_199 : i32 to vector<16xi32>
        %add3A_201 = arith.addi %scan3A_165, %add3A_200 : vector<16xi32>
        %gather3A_202 = tpu.vector_load_idx %arg9[%add3A_201] : memref<40000xf32, #tpu.memory_space<vmem>>[vector<16xi32>], vector<16xf32>,
        %sub3A = arith.subf %gather3A_198, %gather3A_202 : vector<16xf32>
        %max3A = arith.constant 0.000000e+00 : f32
        %max3A_203 = vector.broadcast %max3A : f32 to vector<16xf32>
        %max3A_204 = arith.maximumf %sub3A, %max3A_203 : vector<16xf32>
        %add3A_205 = arith.addf %scan3A_156, %max3A_204 : vector<16xf32>
        %mul3A_206 = arith.mulf %max3A_204, %max3A_204 : vector<16xf32>
        %add3A_207 = arith.addf %scan3A_160, %mul3A_206 : vector<16xf32>
        %add3A_208 = arith.constant 1 : i32
        %add3A_209 = vector.broadcast %add3A_208 : i32 to vector<16xi32>
        %add3A_210 = arith.addi %scan3A_164, %add3A_209 : vector<16xi32>
        %gather3A_211 = tpu.vector_load_idx %arg8[%add3A_210] : memref<40000xf32, #tpu.memory_space<vmem>>[vector<16xi32>], vector<16xf32>,
        %add3A_212 = arith.constant 1 : i32
        %add3A_213 = vector.broadcast %add3A_212 : i32 to vector<16xi32>
        %add3A_214 = arith.addi %scan3A_165, %add3A_213 : vector<16xi32>
        %gather3A_215 = tpu.vector_load_idx %arg9[%add3A_214] : memref<40000xf32, #tpu.memory_space<vmem>>[vector<16xi32>], vector<16xf32>,
        %sub3A_216 = arith.subf %gather3A_211, %gather3A_215 : vector<16xf32>
        %max3A_217 = arith.constant 0.000000e+00 : f32
        %max3A_218 = vector.broadcast %max3A_217 : f32 to vector<16xf32>
        %max3A_219 = arith.maximumf %sub3A_216, %max3A_218 : vector<16xf32>
        %add3A_220 = arith.addf %scan3A_157, %max3A_219 : vector<16xf32>
        %mul3A_221 = arith.mulf %max3A_219, %max3A_219 : vector<16xf32>
        %add3A_222 = arith.addf %scan3A_161, %mul3A_221 : vector<16xf32>
        %add3A_223 = arith.constant 2 : i32
        %add3A_224 = vector.broadcast %add3A_223 : i32 to vector<16xi32>
        %add3A_225 = arith.addi %scan3A_164, %add3A_224 : vector<16xi32>
        %gather3A_226 = tpu.vector_load_idx %arg8[%add3A_225] : memref<40000xf32, #tpu.memory_space<vmem>>[vector<16xi32>], vector<16xf32>,
        %add3A_227 = arith.constant 2 : i32
        %add3A_228 = vector.broadcast %add3A_227 : i32 to vector<16xi32>
        %add3A_229 = arith.addi %scan3A_165, %add3A_228 : vector<16xi32>
        %gather3A_230 = tpu.vector_load_idx %arg9[%add3A_229] : memref<40000xf32, #tpu.memory_space<vmem>>[vector<16xi32>], vector<16xf32>,
        %sub3A_231 = arith.subf %gather3A_226, %gather3A_230 : vector<16xf32>
        %max3A_232 = arith.constant 0.000000e+00 : f32
        %max3A_233 = vector.broadcast %max3A_232 : f32 to vector<16xf32>
        %max3A_234 = arith.maximumf %sub3A_231, %max3A_233 : vector<16xf32>
        %add3A_235 = arith.addf %scan3A_158, %max3A_234 : vector<16xf32>
        %mul3A_236 = arith.mulf %max3A_234, %max3A_234 : vector<16xf32>
        %add3A_237 = arith.addf %scan3A_162, %mul3A_236 : vector<16xf32>
        %add3A_238 = arith.constant 3 : i32
        %add3A_239 = vector.broadcast %add3A_238 : i32 to vector<16xi32>
        %add3A_240 = arith.addi %scan3A_164, %add3A_239 : vector<16xi32>
        %gather3A_241 = tpu.vector_load_idx %arg8[%add3A_240] : memref<40000xf32, #tpu.memory_space<vmem>>[vector<16xi32>], vector<16xf32>,
        %add3A_242 = arith.constant 3 : i32
        %add3A_243 = vector.broadcast %add3A_242 : i32 to vector<16xi32>
        %add3A_244 = arith.addi %scan3A_165, %add3A_243 : vector<16xi32>
        %gather3A_245 = tpu.vector_load_idx %arg9[%add3A_244] : memref<40000xf32, #tpu.memory_space<vmem>>[vector<16xi32>], vector<16xf32>,
        %sub3A_246 = arith.subf %gather3A_241, %gather3A_245 : vector<16xf32>
        %max3A_247 = arith.constant 0.000000e+00 : f32
        %max3A_248 = vector.broadcast %max3A_247 : f32 to vector<16xf32>
        %max3A_249 = arith.maximumf %sub3A_246, %max3A_248 : vector<16xf32>
        %add3A_250 = arith.addf %scan3A_159, %max3A_249 : vector<16xf32>
        %mul3A_251 = arith.mulf %max3A_249, %max3A_249 : vector<16xf32>
        %add3A_252 = arith.addf %scan3A_163, %mul3A_251 : vector<16xf32>
        %broadcast_in_dim3A_253 = vector.broadcast %scan3A_166 : i1 to vector<16xi1>
        %not3A = arith.constant dense<true> : vector<16xi1>
        %not3A_254 = arith.xori %broadcast_in_dim3A_253, %not3A : vector<16xi1>
        %add3A_255 = arith.constant 0 : i32
        %add3A_256 = vector.broadcast %add3A_255 : i32 to vector<16xi32>
        %add3A_257 = arith.addi %scan3A_165, %add3A_256 : vector<16xi32>
        %gather3A_258 = tpu.vector_load_idx %arg10[%add3A_257] : memref<40000xf32, #tpu.memory_space<vmem>>[vector<16xi32>], vector<16xf32>,
        %add3A_259 = arith.constant 1 : i32
        %add3A_260 = vector.broadcast %add3A_259 : i32 to vector<16xi32>
        %add3A_261 = arith.addi %scan3A_165, %add3A_260 : vector<16xi32>
        %gather3A_262 = tpu.vector_load_idx %arg10[%add3A_261] : memref<40000xf32, #tpu.memory_space<vmem>>[vector<16xi32>], vector<16xf32>,
        %add3A_263 = arith.constant 2 : i32
        %add3A_264 = vector.broadcast %add3A_263 : i32 to vector<16xi32>
        %add3A_265 = arith.addi %scan3A_165, %add3A_264 : vector<16xi32>
        %gather3A_266 = tpu.vector_load_idx %arg10[%add3A_265] : memref<40000xf32, #tpu.memory_space<vmem>>[vector<16xi32>], vector<16xf32>,
        %add3A_267 = arith.constant 3 : i32
        %add3A_268 = vector.broadcast %add3A_267 : i32 to vector<16xi32>
        %add3A_269 = arith.addi %scan3A_165, %add3A_268 : vector<16xi32>
        %gather3A_270 = tpu.vector_load_idx %arg10[%add3A_269] : memref<40000xf32, #tpu.memory_space<vmem>>[vector<16xi32>], vector<16xf32>,
        %add3A_271 = arith.constant 0 : i32
        %add3A_272 = vector.broadcast %add3A_271 : i32 to vector<16xi32>
        %add3A_273 = arith.addi %scan3A_165, %add3A_272 : vector<16xi32>
        %max3A_274 = arith.maximumf %gather3A_258, %max3A_204 : vector<16xf32>
        tpu.vector_store_idx %arg10[%add3A_273], %max3A_274 masked %not3A_254 : memref<40000xf32, #tpu.memory_space<vmem>>[vector<16xi32>], vector<16xf32>, vector<16xi1>
        %add3A_275 = arith.constant 1 : i32
        %add3A_276 = vector.broadcast %add3A_275 : i32 to vector<16xi32>
        %add3A_277 = arith.addi %scan3A_165, %add3A_276 : vector<16xi32>
        %max3A_278 = arith.maximumf %gather3A_262, %max3A_219 : vector<16xf32>
        tpu.vector_store_idx %arg10[%add3A_277], %max3A_278 masked %not3A_254 : memref<40000xf32, #tpu.memory_space<vmem>>[vector<16xi32>], vector<16xf32>, vector<16xi1>
        %add3A_279 = arith.constant 2 : i32
        %add3A_280 = vector.broadcast %add3A_279 : i32 to vector<16xi32>
        %add3A_281 = arith.addi %scan3A_165, %add3A_280 : vector<16xi32>
        %max3A_282 = arith.maximumf %gather3A_266, %max3A_234 : vector<16xf32>
        tpu.vector_store_idx %arg10[%add3A_281], %max3A_282 masked %not3A_254 : memref<40000xf32, #tpu.memory_space<vmem>>[vector<16xi32>], vector<16xf32>, vector<16xi1>
        %add3A_283 = arith.constant 3 : i32
        %add3A_284 = vector.broadcast %add3A_283 : i32 to vector<16xi32>
        %add3A_285 = arith.addi %scan3A_165, %add3A_284 : vector<16xi32>
        %max3A_286 = arith.maximumf %gather3A_270, %max3A_249 : vector<16xf32>
        tpu.vector_store_idx %arg10[%add3A_285], %max3A_286 masked %not3A_254 : memref<40000xf32, #tpu.memory_space<vmem>>[vector<16xi32>], vector<16xf32>, vector<16xi1>
        %convert_element_type3A_287 = arith.extui %scan3A_166 : i1 to i32
        %cond3A_288 = arith.constant 0 : i32
        %cond3A_289 = arith.cmpi ne, %convert_element_type3A_287, %cond3A_288 : i32
        scf.if %cond3A_289 {
          %broadcast_in_dim3A_417 = arith.constant true
          %broadcast_in_dim3A_418 = vector.broadcast %broadcast_in_dim3A_417 : i1 to vector<16xi1>
          %unique3A_419, %unique3A_420 = tpu.scan_count mask(%broadcast_in_dim3A_418 : vector<16xi1>) value(%scan3A_165 : vector<16xi32>) : vector<16xi1>, vector<16xi32>
          %while3A = scf.while (%while3A_421 = %reduce_min3A_17) : (i32) -> i32 {
            %ge3A = vector.broadcast %while3A_421 : i32 to vector<16xi32>
            %ge3A_422 = arith.cmpi sge, %unique3A_420, %ge3A : vector<16xi32>
            %reduce_or3A_423 = arith.constant 1.000000e+00 : f32
            %reduce_or3A_424 = arith.constant 0.000000e+00 : f32
            %reduce_or3A_425 = vector.broadcast %reduce_or3A_423 : f32 to vector<16xf32>
            %reduce_or3A_426 = vector.broadcast %reduce_or3A_424 : f32 to vector<16xf32>
            %reduce_or3A_427 = arith.select %ge3A_422, %reduce_or3A_425, %reduce_or3A_426 : vector<16xi1>, vector<16xf32>
            %reduce_or3A_428 = arith.constant true
            %reduce_or3A_429 = vector.broadcast %reduce_or3A_428 : i1 to vector<16xi1>
            %reduce_or3A_430 = tpu.scan <max>, %reduce_or3A_427 masked %reduce_or3A_429 : vector<16xf32>, vector<16xi1> -> vector<16xf32>
            %reduce_or3A_431 = vector.extract %reduce_or3A_430[15] : f32 from vector<16xf32>
            %reduce_or3A_432 = arith.constant 0.000000e+00 : f32
            %reduce_or3A_433 = arith.cmpf ogt, %reduce_or3A_431, %reduce_or3A_432 : f32
            scf.condition(%reduce_or3A_433) %while3A_421 : i32
          } do {
          ^bb0(%while3A_421: i32):
            %eq3A = vector.broadcast %while3A_421 : i32 to vector<16xi32>
            %eq3A_422 = arith.cmpi eq, %unique3A_420, %eq3A : vector<16xi32>
            %add3A_423 = arith.constant 0 : i32
            %add3A_424 = vector.broadcast %add3A_423 : i32 to vector<16xi32>
            %add3A_425 = arith.addi %scan3A_165, %add3A_424 : vector<16xi32>
            %gather3A_426 = tpu.vector_load_idx %arg10[%add3A_425] : memref<40000xf32, #tpu.memory_space<vmem>>[vector<16xi32>], vector<16xf32>,
            %add3A_427 = arith.constant 0 : i32
            %add3A_428 = vector.broadcast %add3A_427 : i32 to vector<16xi32>
            %add3A_429 = arith.addi %scan3A_165, %add3A_428 : vector<16xi32>
            %max3A_430 = arith.maximumf %gather3A_426, %max3A_204 : vector<16xf32>
            tpu.vector_store_idx %arg10[%add3A_429], %max3A_430 masked %eq3A_422 : memref<40000xf32, #tpu.memory_space<vmem>>[vector<16xi32>], vector<16xf32>, vector<16xi1>
            %add3A_431 = arith.constant 1 : i32
            %add3A_432 = vector.broadcast %add3A_431 : i32 to vector<16xi32>
            %add3A_433 = arith.addi %scan3A_165, %add3A_432 : vector<16xi32>
            %gather3A_434 = tpu.vector_load_idx %arg10[%add3A_433] : memref<40000xf32, #tpu.memory_space<vmem>>[vector<16xi32>], vector<16xf32>,
            %add3A_435 = arith.constant 1 : i32
            %add3A_436 = vector.broadcast %add3A_435 : i32 to vector<16xi32>
            %add3A_437 = arith.addi %scan3A_165, %add3A_436 : vector<16xi32>
            %max3A_438 = arith.maximumf %gather3A_434, %max3A_219 : vector<16xf32>
            tpu.vector_store_idx %arg10[%add3A_437], %max3A_438 masked %eq3A_422 : memref<40000xf32, #tpu.memory_space<vmem>>[vector<16xi32>], vector<16xf32>, vector<16xi1>
            %add3A_439 = arith.constant 2 : i32
            %add3A_440 = vector.broadcast %add3A_439 : i32 to vector<16xi32>
            %add3A_441 = arith.addi %scan3A_165, %add3A_440 : vector<16xi32>
            %gather3A_442 = tpu.vector_load_idx %arg10[%add3A_441] : memref<40000xf32, #tpu.memory_space<vmem>>[vector<16xi32>], vector<16xf32>,
            %add3A_443 = arith.constant 2 : i32
            %add3A_444 = vector.broadcast %add3A_443 : i32 to vector<16xi32>
            %add3A_445 = arith.addi %scan3A_165, %add3A_444 : vector<16xi32>
            %max3A_446 = arith.maximumf %gather3A_442, %max3A_234 : vector<16xf32>
            tpu.vector_store_idx %arg10[%add3A_445], %max3A_446 masked %eq3A_422 : memref<40000xf32, #tpu.memory_space<vmem>>[vector<16xi32>], vector<16xf32>, vector<16xi1>
            %add3A_447 = arith.constant 3 : i32
            %add3A_448 = vector.broadcast %add3A_447 : i32 to vector<16xi32>
            %add3A_449 = arith.addi %scan3A_165, %add3A_448 : vector<16xi32>
            %gather3A_450 = tpu.vector_load_idx %arg10[%add3A_449] : memref<40000xf32, #tpu.memory_space<vmem>>[vector<16xi32>], vector<16xf32>,
            %add3A_451 = arith.constant 3 : i32
            %add3A_452 = vector.broadcast %add3A_451 : i32 to vector<16xi32>
            %add3A_453 = arith.addi %scan3A_165, %add3A_452 : vector<16xi32>
            %max3A_454 = arith.maximumf %gather3A_450, %max3A_249 : vector<16xf32>
            tpu.vector_store_idx %arg10[%add3A_453], %max3A_454 masked %eq3A_422 : memref<40000xf32, #tpu.memory_space<vmem>>[vector<16xi32>], vector<16xf32>, vector<16xi1>
            %add3A_455 = arith.constant 1 : i32
            %add3A_456 = arith.addi %while3A_421, %add3A_455 : i32
            scf.yield %add3A_456 : i32
          }
        } else {
        }
        %scan3A_290 = arith.constant 1 : i32
        %scan3A_291 = arith.addi %scan3A_155, %scan3A_290 : i32
        %shift_right_logical3A_292 = arith.constant 3 : i32
        %shift_right_logical3A_293 = vector.broadcast %shift_right_logical3A_292 : i32 to vector<16xi32>
        %shift_right_logical3A_294 = arith.shrui %get3A_194, %shift_right_logical3A_293 : vector<16xi32>
        tpu.vector_store_idx %arg15[%shift_right_logical3A_294], %iota3A_18 : memref<5000xi32, #tpu.memory_space<vmem>>[vector<16xi32>], vector<16xi32>,
        %gather3A_295 = tpu.vector_load_idx %arg15[%shift_right_logical3A_294] : memref<5000xi32, #tpu.memory_space<vmem>>[vector<16xi32>], vector<16xi32>,
        %ne3A_296 = arith.cmpi ne, %gather3A_295, %iota3A_18 : vector<16xi32>
        %reduce_or3A_297 = arith.constant 1.000000e+00 : f32
        %reduce_or3A_298 = arith.constant 0.000000e+00 : f32
        %reduce_or3A_299 = vector.broadcast %reduce_or3A_297 : f32 to vector<16xf32>
        %reduce_or3A_300 = vector.broadcast %reduce_or3A_298 : f32 to vector<16xf32>
        %reduce_or3A_301 = arith.select %ne3A_296, %reduce_or3A_299, %reduce_or3A_300 : vector<16xi1>, vector<16xf32>
        %reduce_or3A_302 = arith.constant true
        %reduce_or3A_303 = vector.broadcast %reduce_or3A_302 : i1 to vector<16xi1>
        %reduce_or3A_304 = tpu.scan <max>, %reduce_or3A_301 masked %reduce_or3A_303 : vector<16xf32>, vector<16xi1> -> vector<16xf32>
        %reduce_or3A_305 = vector.extract %reduce_or3A_304[15] : f32 from vector<16xf32>
        %reduce_or3A_306 = arith.constant 0.000000e+00 : f32
        %reduce_or3A_307 = arith.cmpf ogt, %reduce_or3A_305, %reduce_or3A_306 : f32
        %add3A_308 = arith.constant 2 : i32
        %add3A_309 = arith.addi %scan3A_291, %add3A_308 : i32
        %min3A_310 = arith.constant 79 : i32
        %min3A_311 = arith.minsi %add3A_309, %min3A_310 : i32
        %mul3A_312 = arith.constant 16 : i32
        %mul3A_313 = arith.muli %min3A_311, %mul3A_312 : i32
        %multiple_of3A_314 = tpu.assume_multiple %mul3A_313, 16 : i32
        %get3A_315 = arith.index_cast %multiple_of3A_314 : i32 to index
        %get3A_316 = tpu.vector_load %arg11[%get3A_315] {strides = array<i32>} : memref<1280xi32, #tpu.memory_space<vmem>>, vector<16xi32>,
        %get3A_317 = arith.index_cast %multiple_of3A_314 : i32 to index
        %get3A_318 = tpu.vector_load %arg12[%get3A_317] {strides = array<i32>} : memref<1280xi32, #tpu.memory_space<vmem>>, vector<16xi32>,
        %add3A_319 = arith.constant 0 : i32
        %add3A_320 = vector.broadcast %add3A_319 : i32 to vector<16xi32>
        %add3A_321 = arith.addi %scan3A_167, %add3A_320 : vector<16xi32>
        %gather3A_322 = tpu.vector_load_idx %arg8[%add3A_321] : memref<40000xf32, #tpu.memory_space<vmem>>[vector<16xi32>], vector<16xf32>,
        %add3A_323 = arith.constant 0 : i32
        %add3A_324 = vector.broadcast %add3A_323 : i32 to vector<16xi32>
        %add3A_325 = arith.addi %scan3A_168, %add3A_324 : vector<16xi32>
        %gather3A_326 = tpu.vector_load_idx %arg9[%add3A_325] : memref<40000xf32, #tpu.memory_space<vmem>>[vector<16xi32>], vector<16xf32>,
        %sub3A_327 = arith.subf %gather3A_322, %gather3A_326 : vector<16xf32>
        %max3A_328 = arith.constant 0.000000e+00 : f32
        %max3A_329 = vector.broadcast %max3A_328 : f32 to vector<16xf32>
        %max3A_330 = arith.maximumf %sub3A_327, %max3A_329 : vector<16xf32>
        %add3A_331 = arith.addf %add3A_205, %max3A_330 : vector<16xf32>
        %mul3A_332 = arith.mulf %max3A_330, %max3A_330 : vector<16xf32>
        %add3A_333 = arith.addf %add3A_207, %mul3A_332 : vector<16xf32>
        %add3A_334 = arith.constant 1 : i32
        %add3A_335 = vector.broadcast %add3A_334 : i32 to vector<16xi32>
        %add3A_336 = arith.addi %scan3A_167, %add3A_335 : vector<16xi32>
        %gather3A_337 = tpu.vector_load_idx %arg8[%add3A_336] : memref<40000xf32, #tpu.memory_space<vmem>>[vector<16xi32>], vector<16xf32>,
        %add3A_338 = arith.constant 1 : i32
        %add3A_339 = vector.broadcast %add3A_338 : i32 to vector<16xi32>
        %add3A_340 = arith.addi %scan3A_168, %add3A_339 : vector<16xi32>
        %gather3A_341 = tpu.vector_load_idx %arg9[%add3A_340] : memref<40000xf32, #tpu.memory_space<vmem>>[vector<16xi32>], vector<16xf32>,
        %sub3A_342 = arith.subf %gather3A_337, %gather3A_341 : vector<16xf32>
        %max3A_343 = arith.constant 0.000000e+00 : f32
        %max3A_344 = vector.broadcast %max3A_343 : f32 to vector<16xf32>
        %max3A_345 = arith.maximumf %sub3A_342, %max3A_344 : vector<16xf32>
        %add3A_346 = arith.addf %add3A_220, %max3A_345 : vector<16xf32>
        %mul3A_347 = arith.mulf %max3A_345, %max3A_345 : vector<16xf32>
        %add3A_348 = arith.addf %add3A_222, %mul3A_347 : vector<16xf32>
        %add3A_349 = arith.constant 2 : i32
        %add3A_350 = vector.broadcast %add3A_349 : i32 to vector<16xi32>
        %add3A_351 = arith.addi %scan3A_167, %add3A_350 : vector<16xi32>
        %gather3A_352 = tpu.vector_load_idx %arg8[%add3A_351] : memref<40000xf32, #tpu.memory_space<vmem>>[vector<16xi32>], vector<16xf32>,
        %add3A_353 = arith.constant 2 : i32
        %add3A_354 = vector.broadcast %add3A_353 : i32 to vector<16xi32>
        %add3A_355 = arith.addi %scan3A_168, %add3A_354 : vector<16xi32>
        %gather3A_356 = tpu.vector_load_idx %arg9[%add3A_355] : memref<40000xf32, #tpu.memory_space<vmem>>[vector<16xi32>], vector<16xf32>,
        %sub3A_357 = arith.subf %gather3A_352, %gather3A_356 : vector<16xf32>
        %max3A_358 = arith.constant 0.000000e+00 : f32
        %max3A_359 = vector.broadcast %max3A_358 : f32 to vector<16xf32>
        %max3A_360 = arith.maximumf %sub3A_357, %max3A_359 : vector<16xf32>
        %add3A_361 = arith.addf %add3A_235, %max3A_360 : vector<16xf32>
        %mul3A_362 = arith.mulf %max3A_360, %max3A_360 : vector<16xf32>
        %add3A_363 = arith.addf %add3A_237, %mul3A_362 : vector<16xf32>
        %add3A_364 = arith.constant 3 : i32
        %add3A_365 = vector.broadcast %add3A_364 : i32 to vector<16xi32>
        %add3A_366 = arith.addi %scan3A_167, %add3A_365 : vector<16xi32>
        %gather3A_367 = tpu.vector_load_idx %arg8[%add3A_366] : memref<40000xf32, #tpu.memory_space<vmem>>[vector<16xi32>], vector<16xf32>,
        %add3A_368 = arith.constant 3 : i32
        %add3A_369 = vector.broadcast %add3A_368 : i32 to vector<16xi32>
        %add3A_370 = arith.addi %scan3A_168, %add3A_369 : vector<16xi32>
        %gather3A_371 = tpu.vector_load_idx %arg9[%add3A_370] : memref<40000xf32, #tpu.memory_space<vmem>>[vector<16xi32>], vector<16xf32>,
        %sub3A_372 = arith.subf %gather3A_367, %gather3A_371 : vector<16xf32>
        %max3A_373 = arith.constant 0.000000e+00 : f32
        %max3A_374 = vector.broadcast %max3A_373 : f32 to vector<16xf32>
        %max3A_375 = arith.maximumf %sub3A_372, %max3A_374 : vector<16xf32>
        %add3A_376 = arith.addf %add3A_250, %max3A_375 : vector<16xf32>
        %mul3A_377 = arith.mulf %max3A_375, %max3A_375 : vector<16xf32>
        %add3A_378 = arith.addf %add3A_252, %mul3A_377 : vector<16xf32>
        %broadcast_in_dim3A_379 = vector.broadcast %reduce_or3A_184 : i1 to vector<16xi1>
        %not3A_380 = arith.constant dense<true> : vector<16xi1>
        %not3A_381 = arith.xori %broadcast_in_dim3A_379, %not3A_380 : vector<16xi1>
        %add3A_382 = arith.constant 0 : i32
        %add3A_383 = vector.broadcast %add3A_382 : i32 to vector<16xi32>
        %add3A_384 = arith.addi %scan3A_168, %add3A_383 : vector<16xi32>
        %gather3A_385 = tpu.vector_load_idx %arg10[%add3A_384] : memref<40000xf32, #tpu.memory_space<vmem>>[vector<16xi32>], vector<16xf32>,
        %add3A_386 = arith.constant 1 : i32
        %add3A_387 = vector.broadcast %add3A_386 : i32 to vector<16xi32>
        %add3A_388 = arith.addi %scan3A_168, %add3A_387 : vector<16xi32>
        %gather3A_389 = tpu.vector_load_idx %arg10[%add3A_388] : memref<40000xf32, #tpu.memory_space<vmem>>[vector<16xi32>], vector<16xf32>,
        %add3A_390 = arith.constant 2 : i32
        %add3A_391 = vector.broadcast %add3A_390 : i32 to vector<16xi32>
        %add3A_392 = arith.addi %scan3A_168, %add3A_391 : vector<16xi32>
        %gather3A_393 = tpu.vector_load_idx %arg10[%add3A_392] : memref<40000xf32, #tpu.memory_space<vmem>>[vector<16xi32>], vector<16xf32>,
        %add3A_394 = arith.constant 3 : i32
        %add3A_395 = vector.broadcast %add3A_394 : i32 to vector<16xi32>
        %add3A_396 = arith.addi %scan3A_168, %add3A_395 : vector<16xi32>
        %gather3A_397 = tpu.vector_load_idx %arg10[%add3A_396] : memref<40000xf32, #tpu.memory_space<vmem>>[vector<16xi32>], vector<16xf32>,
        %add3A_398 = arith.constant 0 : i32
        %add3A_399 = vector.broadcast %add3A_398 : i32 to vector<16xi32>
        %add3A_400 = arith.addi %scan3A_168, %add3A_399 : vector<16xi32>
        %max3A_401 = arith.maximumf %gather3A_385, %max3A_330 : vector<16xf32>
        tpu.vector_store_idx %arg10[%add3A_400], %max3A_401 masked %not3A_381 : memref<40000xf32, #tpu.memory_space<vmem>>[vector<16xi32>], vector<16xf32>, vector<16xi1>
        %add3A_402 = arith.constant 1 : i32
        %add3A_403 = vector.broadcast %add3A_402 : i32 to vector<16xi32>
        %add3A_404 = arith.addi %scan3A_168, %add3A_403 : vector<16xi32>
        %max3A_405 = arith.maximumf %gather3A_389, %max3A_345 : vector<16xf32>
        tpu.vector_store_idx %arg10[%add3A_404], %max3A_405 masked %not3A_381 : memref<40000xf32, #tpu.memory_space<vmem>>[vector<16xi32>], vector<16xf32>, vector<16xi1>
        %add3A_406 = arith.constant 2 : i32
        %add3A_407 = vector.broadcast %add3A_406 : i32 to vector<16xi32>
        %add3A_408 = arith.addi %scan3A_168, %add3A_407 : vector<16xi32>
        %max3A_409 = arith.maximumf %gather3A_393, %max3A_360 : vector<16xf32>
        tpu.vector_store_idx %arg10[%add3A_408], %max3A_409 masked %not3A_381 : memref<40000xf32, #tpu.memory_space<vmem>>[vector<16xi32>], vector<16xf32>, vector<16xi1>
        %add3A_410 = arith.constant 3 : i32
        %add3A_411 = vector.broadcast %add3A_410 : i32 to vector<16xi32>
        %add3A_412 = arith.addi %scan3A_168, %add3A_411 : vector<16xi32>
        %max3A_413 = arith.maximumf %gather3A_397, %max3A_375 : vector<16xf32>
        tpu.vector_store_idx %arg10[%add3A_412], %max3A_413 masked %not3A_381 : memref<40000xf32, #tpu.memory_space<vmem>>[vector<16xi32>], vector<16xf32>, vector<16xi1>
        %convert_element_type3A_414 = arith.extui %reduce_or3A_184 : i1 to i32
        %cond3A_415 = arith.constant 0 : i32
        %cond3A_416 = arith.cmpi ne, %convert_element_type3A_414, %cond3A_415 : i32
        scf.if %cond3A_416 {
          %broadcast_in_dim3A_417 = arith.constant true
          %broadcast_in_dim3A_418 = vector.broadcast %broadcast_in_dim3A_417 : i1 to vector<16xi1>
          %unique3A_419, %unique3A_420 = tpu.scan_count mask(%broadcast_in_dim3A_418 : vector<16xi1>) value(%scan3A_168 : vector<16xi32>) : vector<16xi1>, vector<16xi32>
          %while3A = scf.while (%while3A_421 = %reduce_min3A_17) : (i32) -> i32 {
            %ge3A = vector.broadcast %while3A_421 : i32 to vector<16xi32>
            %ge3A_422 = arith.cmpi sge, %unique3A_420, %ge3A : vector<16xi32>
            %reduce_or3A_423 = arith.constant 1.000000e+00 : f32
            %reduce_or3A_424 = arith.constant 0.000000e+00 : f32
            %reduce_or3A_425 = vector.broadcast %reduce_or3A_423 : f32 to vector<16xf32>
            %reduce_or3A_426 = vector.broadcast %reduce_or3A_424 : f32 to vector<16xf32>
            %reduce_or3A_427 = arith.select %ge3A_422, %reduce_or3A_425, %reduce_or3A_426 : vector<16xi1>, vector<16xf32>
            %reduce_or3A_428 = arith.constant true
            %reduce_or3A_429 = vector.broadcast %reduce_or3A_428 : i1 to vector<16xi1>
            %reduce_or3A_430 = tpu.scan <max>, %reduce_or3A_427 masked %reduce_or3A_429 : vector<16xf32>, vector<16xi1> -> vector<16xf32>
            %reduce_or3A_431 = vector.extract %reduce_or3A_430[15] : f32 from vector<16xf32>
            %reduce_or3A_432 = arith.constant 0.000000e+00 : f32
            %reduce_or3A_433 = arith.cmpf ogt, %reduce_or3A_431, %reduce_or3A_432 : f32
            scf.condition(%reduce_or3A_433) %while3A_421 : i32
          } do {
          ^bb0(%while3A_421: i32):
            %eq3A = vector.broadcast %while3A_421 : i32 to vector<16xi32>
            %eq3A_422 = arith.cmpi eq, %unique3A_420, %eq3A : vector<16xi32>
            %add3A_423 = arith.constant 0 : i32
            %add3A_424 = vector.broadcast %add3A_423 : i32 to vector<16xi32>
            %add3A_425 = arith.addi %scan3A_168, %add3A_424 : vector<16xi32>
            %gather3A_426 = tpu.vector_load_idx %arg10[%add3A_425] : memref<40000xf32, #tpu.memory_space<vmem>>[vector<16xi32>], vector<16xf32>,
            %add3A_427 = arith.constant 0 : i32
            %add3A_428 = vector.broadcast %add3A_427 : i32 to vector<16xi32>
            %add3A_429 = arith.addi %scan3A_168, %add3A_428 : vector<16xi32>
            %max3A_430 = arith.maximumf %gather3A_426, %max3A_330 : vector<16xf32>
            tpu.vector_store_idx %arg10[%add3A_429], %max3A_430 masked %eq3A_422 : memref<40000xf32, #tpu.memory_space<vmem>>[vector<16xi32>], vector<16xf32>, vector<16xi1>
            %add3A_431 = arith.constant 1 : i32
            %add3A_432 = vector.broadcast %add3A_431 : i32 to vector<16xi32>
            %add3A_433 = arith.addi %scan3A_168, %add3A_432 : vector<16xi32>
            %gather3A_434 = tpu.vector_load_idx %arg10[%add3A_433] : memref<40000xf32, #tpu.memory_space<vmem>>[vector<16xi32>], vector<16xf32>,
            %add3A_435 = arith.constant 1 : i32
            %add3A_436 = vector.broadcast %add3A_435 : i32 to vector<16xi32>
            %add3A_437 = arith.addi %scan3A_168, %add3A_436 : vector<16xi32>
            %max3A_438 = arith.maximumf %gather3A_434, %max3A_345 : vector<16xf32>
            tpu.vector_store_idx %arg10[%add3A_437], %max3A_438 masked %eq3A_422 : memref<40000xf32, #tpu.memory_space<vmem>>[vector<16xi32>], vector<16xf32>, vector<16xi1>
            %add3A_439 = arith.constant 2 : i32
            %add3A_440 = vector.broadcast %add3A_439 : i32 to vector<16xi32>
            %add3A_441 = arith.addi %scan3A_168, %add3A_440 : vector<16xi32>
            %gather3A_442 = tpu.vector_load_idx %arg10[%add3A_441] : memref<40000xf32, #tpu.memory_space<vmem>>[vector<16xi32>], vector<16xf32>,
            %add3A_443 = arith.constant 2 : i32
            %add3A_444 = vector.broadcast %add3A_443 : i32 to vector<16xi32>
            %add3A_445 = arith.addi %scan3A_168, %add3A_444 : vector<16xi32>
            %max3A_446 = arith.maximumf %gather3A_442, %max3A_360 : vector<16xf32>
            tpu.vector_store_idx %arg10[%add3A_445], %max3A_446 masked %eq3A_422 : memref<40000xf32, #tpu.memory_space<vmem>>[vector<16xi32>], vector<16xf32>, vector<16xi1>
            %add3A_447 = arith.constant 3 : i32
            %add3A_448 = vector.broadcast %add3A_447 : i32 to vector<16xi32>
            %add3A_449 = arith.addi %scan3A_168, %add3A_448 : vector<16xi32>
            %gather3A_450 = tpu.vector_load_idx %arg10[%add3A_449] : memref<40000xf32, #tpu.memory_space<vmem>>[vector<16xi32>], vector<16xf32>,
            %add3A_451 = arith.constant 3 : i32
            %add3A_452 = vector.broadcast %add3A_451 : i32 to vector<16xi32>
            %add3A_453 = arith.addi %scan3A_168, %add3A_452 : vector<16xi32>
            %max3A_454 = arith.maximumf %gather3A_450, %max3A_375 : vector<16xf32>
            tpu.vector_store_idx %arg10[%add3A_453], %max3A_454 masked %eq3A_422 : memref<40000xf32, #tpu.memory_space<vmem>>[vector<16xi32>], vector<16xf32>, vector<16xi1>
            %add3A_455 = arith.constant 1 : i32
            %add3A_456 = arith.addi %while3A_421, %add3A_455 : i32
            scf.yield %add3A_456 : i32
          }
        } else {
        }
        scf.yield %add3A_331, %add3A_346, %add3A_361, %add3A_376, %add3A_333, %add3A_348, %add3A_363, %add3A_378, %get3A_192, %get3A_194, %reduce_or3A_307, %get3A_316, %get3A_318 : vector<16xf32>, vector<16xf32>, vector<16xf32>, vector<16xf32>, vector<16xf32>, vector<16xf32>, vector<16xf32>, vector<16xf32>, vector<16xi32>, vector<16xi32>, i1, vector<16xi32>, vector<16xi32>
      }
      %scan3A_110 = arith.constant 80 : i32
      %lt3A = arith.constant 124 : i32
      %lt3A_111 = arith.cmpi slt, %scan3A_52, %lt3A : i32
      %convert_element_type3A = arith.extui %lt3A_111 : i1 to i32
      %cond3A = arith.constant 0 : i32
      %cond3A_112 = arith.cmpi ne, %convert_element_type3A, %cond3A : i32
      scf.if %cond3A_112 {
        %mul3A_155 = arith.constant 2 : i32
        %mul3A_156 = arith.muli %mul3A_155, %scan3A_52 : i32
        %add3A_157 = arith.constant 2 : i32
        %add3A_158 = arith.addi %mul3A_156, %add3A_157 : i32
        %mul3A_159 = arith.constant 1280 : i32
        %mul3A_160 = arith.muli %add3A_158, %mul3A_159 : i32
        %dma_start3A_161 = tpu.memref_slice %arg4[%mul3A_160] : memref<320000xi32, #tpu.memory_space<hbm>> -> memref<1280xi32, #tpu.memory_space<hbm>>
        %dma_start3A_162 = tpu.memref_slice %arg4[%mul3A_160] : memref<320000xi32, #tpu.memory_space<hbm>> -> memref<1280xi32, #tpu.memory_space<hbm>>
        tpu.enqueue_dma source(%dma_start3A_162 : memref<1280xi32, #tpu.memory_space<hbm>>) target(%arg11 : memref<1280xi32, #tpu.memory_space<vmem>>) target_semaphore(%arg17 : memref<!tpu.dma_semaphore, #tpu.memory_space<semaphore_mem>>)
        %dma_start3A_163 = tpu.memref_slice %arg5[%mul3A_160] : memref<320000xi32, #tpu.memory_space<hbm>> -> memref<1280xi32, #tpu.memory_space<hbm>>
        %dma_start3A_164 = tpu.memref_slice %arg5[%mul3A_160] : memref<320000xi32, #tpu.memory_space<hbm>> -> memref<1280xi32, #tpu.memory_space<hbm>>
        tpu.enqueue_dma source(%dma_start3A_164 : memref<1280xi32, #tpu.memory_space<hbm>>) target(%arg12 : memref<1280xi32, #tpu.memory_space<vmem>>) target_semaphore(%arg17 : memref<!tpu.dma_semaphore, #tpu.memory_space<semaphore_mem>>)
      } else {
      }
      %dma_wait3A_113 = arith.constant 0 : i32
      %dma_wait3A_114 = tpu.memref_slice %arg4[%dma_wait3A_113] : memref<320000xi32, #tpu.memory_space<hbm>> -> memref<1280xi32, #tpu.memory_space<hbm>>
      %dma_wait3A_115 = arith.constant 0 : i32
      %dma_wait3A_116 = tpu.memref_slice %arg4[%dma_wait3A_115] : memref<320000xi32, #tpu.memory_space<hbm>> -> memref<1280xi32, #tpu.memory_space<hbm>>
      tpu.wait_dma2 semaphore(%arg18 : memref<!tpu.dma_semaphore, #tpu.memory_space<semaphore_mem>>) src(%dma_wait3A_116 : memref<1280xi32, #tpu.memory_space<hbm>>) dst(%arg13 : memref<1280xi32, #tpu.memory_space<vmem>>)
      %dma_wait3A_117 = arith.constant 0 : i32
      %dma_wait3A_118 = tpu.memref_slice %arg5[%dma_wait3A_117] : memref<320000xi32, #tpu.memory_space<hbm>> -> memref<1280xi32, #tpu.memory_space<hbm>>
      %dma_wait3A_119 = arith.constant 0 : i32
      %dma_wait3A_120 = tpu.memref_slice %arg5[%dma_wait3A_119] : memref<320000xi32, #tpu.memory_space<hbm>> -> memref<1280xi32, #tpu.memory_space<hbm>>
      tpu.wait_dma2 semaphore(%arg18 : memref<!tpu.dma_semaphore, #tpu.memory_space<semaphore_mem>>) src(%dma_wait3A_120 : memref<1280xi32, #tpu.memory_space<hbm>>) dst(%arg14 : memref<1280xi32, #tpu.memory_space<vmem>>)
      %multiple_of3A_121 = arith.constant 0 : i32
      %multiple_of3A_122 = tpu.assume_multiple %multiple_of3A_121, 16 : i32
      %get3A_123 = arith.index_cast %multiple_of3A_122 : i32 to index
      %get3A_124 = tpu.vector_load %arg13[%get3A_123] {strides = array<i32>} : memref<1280xi32, #tpu.memory_space<vmem>>, vector<16xi32>,
      %get3A_125 = arith.index_cast %multiple_of3A_122 : i32 to index
      %get3A_126 = tpu.vector_load %arg14[%get3A_125] {strides = array<i32>} : memref<1280xi32, #tpu.memory_space<vmem>>, vector<16xi32>,
      %multiple_of3A_127 = arith.constant 16 : i32
      %multiple_of3A_128 = tpu.assume_multiple %multiple_of3A_127, 16 : i32
      %get3A_129 = arith.index_cast %multiple_of3A_128 : i32 to index
      %get3A_130 = tpu.vector_load %arg13[%get3A_129] {strides = array<i32>} : memref<1280xi32, #tpu.memory_space<vmem>>, vector<16xi32>,
      %get3A_131 = arith.index_cast %multiple_of3A_128 : i32 to index
      %get3A_132 = tpu.vector_load %arg14[%get3A_131] {strides = array<i32>} : memref<1280xi32, #tpu.memory_space<vmem>>, vector<16xi32>,
      %shift_right_logical3A_133 = arith.constant 3 : i32
      %shift_right_logical3A_134 = vector.broadcast %shift_right_logical3A_133 : i32 to vector<16xi32>
      %shift_right_logical3A_135 = arith.shrui %get3A_126, %shift_right_logical3A_134 : vector<16xi32>
      tpu.vector_store_idx %arg15[%shift_right_logical3A_135], %iota3A_18 : memref<5000xi32, #tpu.memory_space<vmem>>[vector<16xi32>], vector<16xi32>,
      %gather3A_136 = tpu.vector_load_idx %arg15[%shift_right_logical3A_135] : memref<5000xi32, #tpu.memory_space<vmem>>[vector<16xi32>], vector<16xi32>,
      %ne3A_137 = arith.cmpi ne, %gather3A_136, %iota3A_18 : vector<16xi32>
      %reduce_or3A_138 = arith.constant 1.000000e+00 : f32
      %reduce_or3A_139 = arith.constant 0.000000e+00 : f32
      %reduce_or3A_140 = vector.broadcast %reduce_or3A_138 : f32 to vector<16xf32>
      %reduce_or3A_141 = vector.broadcast %reduce_or3A_139 : f32 to vector<16xf32>
      %reduce_or3A_142 = arith.select %ne3A_137, %reduce_or3A_140, %reduce_or3A_141 : vector<16xi1>, vector<16xf32>
      %reduce_or3A_143 = arith.constant true
      %reduce_or3A_144 = vector.broadcast %reduce_or3A_143 : i1 to vector<16xi1>
      %reduce_or3A_145 = tpu.scan <max>, %reduce_or3A_142 masked %reduce_or3A_144 : vector<16xf32>, vector<16xi1> -> vector<16xf32>
      %reduce_or3A_146 = vector.extract %reduce_or3A_145[15] : f32 from vector<16xf32>
      %reduce_or3A_147 = arith.constant 0.000000e+00 : f32
      %reduce_or3A_148 = arith.cmpf ogt, %reduce_or3A_146, %reduce_or3A_147 : f32
      %scan3A_149 = arith.constant 0 : i32
      %scan3A_150 = arith.constant 80 : i32
      %scan3A_151 = arith.addi %scan3A_149, %scan3A_150 : i32
      %scan3A_152 = arith.constant 2 : i32
      %scan3A_153:13 = scf.for %scan3A_155 = %scan3A_149 to %scan3A_151 step %scan3A_152 iter_args(%scan3A_156 = %scan3A_109#0, %scan3A_157 = %scan3A_109#1, %scan3A_158 = %scan3A_109#2, %scan3A_159 = %scan3A_109#3, %scan3A_160 = %scan3A_109#4, %scan3A_161 = %scan3A_109#5, %scan3A_162 = %scan3A_109#6, %scan3A_163 = %scan3A_109#7, %scan3A_164 = %get3A_124, %scan3A_165 = %get3A_126, %scan3A_166 = %reduce_or3A_148, %scan3A_167 = %get3A_130, %scan3A_168 = %get3A_132) -> (vector<16xf32>, vector<16xf32>, vector<16xf32>, vector<16xf32>, vector<16xf32>, vector<16xf32>, vector<16xf32>, vector<16xf32>, vector<16xi32>, vector<16xi32>, i1, vector<16xi32>, vector<16xi32>)  : i32 {
        %shift_right_logical3A_169 = arith.constant 3 : i32
        %shift_right_logical3A_170 = vector.broadcast %shift_right_logical3A_169 : i32 to vector<16xi32>
        %shift_right_logical3A_171 = arith.shrui %scan3A_168, %shift_right_logical3A_170 : vector<16xi32>
        tpu.vector_store_idx %arg15[%shift_right_logical3A_171], %iota3A_18 : memref<5000xi32, #tpu.memory_space<vmem>>[vector<16xi32>], vector<16xi32>,
        %gather3A_172 = tpu.vector_load_idx %arg15[%shift_right_logical3A_171] : memref<5000xi32, #tpu.memory_space<vmem>>[vector<16xi32>], vector<16xi32>,
        %ne3A_173 = arith.cmpi ne, %gather3A_172, %iota3A_18 : vector<16xi32>
        %reduce_or3A_174 = arith.constant 1.000000e+00 : f32
        %reduce_or3A_175 = arith.constant 0.000000e+00 : f32
        %reduce_or3A_176 = vector.broadcast %reduce_or3A_174 : f32 to vector<16xf32>
        %reduce_or3A_177 = vector.broadcast %reduce_or3A_175 : f32 to vector<16xf32>
        %reduce_or3A_178 = arith.select %ne3A_173, %reduce_or3A_176, %reduce_or3A_177 : vector<16xi1>, vector<16xf32>
        %reduce_or3A_179 = arith.constant true
        %reduce_or3A_180 = vector.broadcast %reduce_or3A_179 : i1 to vector<16xi1>
        %reduce_or3A_181 = tpu.scan <max>, %reduce_or3A_178 masked %reduce_or3A_180 : vector<16xf32>, vector<16xi1> -> vector<16xf32>
        %reduce_or3A_182 = vector.extract %reduce_or3A_181[15] : f32 from vector<16xf32>
        %reduce_or3A_183 = arith.constant 0.000000e+00 : f32
        %reduce_or3A_184 = arith.cmpf ogt, %reduce_or3A_182, %reduce_or3A_183 : f32
        %add3A_185 = arith.constant 2 : i32
        %add3A_186 = arith.addi %scan3A_155, %add3A_185 : i32
        %min3A = arith.constant 79 : i32
        %min3A_187 = arith.minsi %add3A_186, %min3A : i32
        %mul3A_188 = arith.constant 16 : i32
        %mul3A_189 = arith.muli %min3A_187, %mul3A_188 : i32
        %multiple_of3A_190 = tpu.assume_multiple %mul3A_189, 16 : i32
        %get3A_191 = arith.index_cast %multiple_of3A_190 : i32 to index
        %get3A_192 = tpu.vector_load %arg13[%get3A_191] {strides = array<i32>} : memref<1280xi32, #tpu.memory_space<vmem>>, vector<16xi32>,
        %get3A_193 = arith.index_cast %multiple_of3A_190 : i32 to index
        %get3A_194 = tpu.vector_load %arg14[%get3A_193] {strides = array<i32>} : memref<1280xi32, #tpu.memory_space<vmem>>, vector<16xi32>,
        %add3A_195 = arith.constant 0 : i32
        %add3A_196 = vector.broadcast %add3A_195 : i32 to vector<16xi32>
        %add3A_197 = arith.addi %scan3A_164, %add3A_196 : vector<16xi32>
        %gather3A_198 = tpu.vector_load_idx %arg8[%add3A_197] : memref<40000xf32, #tpu.memory_space<vmem>>[vector<16xi32>], vector<16xf32>,
        %add3A_199 = arith.constant 0 : i32
        %add3A_200 = vector.broadcast %add3A_199 : i32 to vector<16xi32>
        %add3A_201 = arith.addi %scan3A_165, %add3A_200 : vector<16xi32>
        %gather3A_202 = tpu.vector_load_idx %arg9[%add3A_201] : memref<40000xf32, #tpu.memory_space<vmem>>[vector<16xi32>], vector<16xf32>,
        %sub3A = arith.subf %gather3A_198, %gather3A_202 : vector<16xf32>
        %max3A = arith.constant 0.000000e+00 : f32
        %max3A_203 = vector.broadcast %max3A : f32 to vector<16xf32>
        %max3A_204 = arith.maximumf %sub3A, %max3A_203 : vector<16xf32>
        %add3A_205 = arith.addf %scan3A_156, %max3A_204 : vector<16xf32>
        %mul3A_206 = arith.mulf %max3A_204, %max3A_204 : vector<16xf32>
        %add3A_207 = arith.addf %scan3A_160, %mul3A_206 : vector<16xf32>
        %add3A_208 = arith.constant 1 : i32
        %add3A_209 = vector.broadcast %add3A_208 : i32 to vector<16xi32>
        %add3A_210 = arith.addi %scan3A_164, %add3A_209 : vector<16xi32>
        %gather3A_211 = tpu.vector_load_idx %arg8[%add3A_210] : memref<40000xf32, #tpu.memory_space<vmem>>[vector<16xi32>], vector<16xf32>,
        %add3A_212 = arith.constant 1 : i32
        %add3A_213 = vector.broadcast %add3A_212 : i32 to vector<16xi32>
        %add3A_214 = arith.addi %scan3A_165, %add3A_213 : vector<16xi32>
        %gather3A_215 = tpu.vector_load_idx %arg9[%add3A_214] : memref<40000xf32, #tpu.memory_space<vmem>>[vector<16xi32>], vector<16xf32>,
        %sub3A_216 = arith.subf %gather3A_211, %gather3A_215 : vector<16xf32>
        %max3A_217 = arith.constant 0.000000e+00 : f32
        %max3A_218 = vector.broadcast %max3A_217 : f32 to vector<16xf32>
        %max3A_219 = arith.maximumf %sub3A_216, %max3A_218 : vector<16xf32>
        %add3A_220 = arith.addf %scan3A_157, %max3A_219 : vector<16xf32>
        %mul3A_221 = arith.mulf %max3A_219, %max3A_219 : vector<16xf32>
        %add3A_222 = arith.addf %scan3A_161, %mul3A_221 : vector<16xf32>
        %add3A_223 = arith.constant 2 : i32
        %add3A_224 = vector.broadcast %add3A_223 : i32 to vector<16xi32>
        %add3A_225 = arith.addi %scan3A_164, %add3A_224 : vector<16xi32>
        %gather3A_226 = tpu.vector_load_idx %arg8[%add3A_225] : memref<40000xf32, #tpu.memory_space<vmem>>[vector<16xi32>], vector<16xf32>,
        %add3A_227 = arith.constant 2 : i32
        %add3A_228 = vector.broadcast %add3A_227 : i32 to vector<16xi32>
        %add3A_229 = arith.addi %scan3A_165, %add3A_228 : vector<16xi32>
        %gather3A_230 = tpu.vector_load_idx %arg9[%add3A_229] : memref<40000xf32, #tpu.memory_space<vmem>>[vector<16xi32>], vector<16xf32>,
        %sub3A_231 = arith.subf %gather3A_226, %gather3A_230 : vector<16xf32>
        %max3A_232 = arith.constant 0.000000e+00 : f32
        %max3A_233 = vector.broadcast %max3A_232 : f32 to vector<16xf32>
        %max3A_234 = arith.maximumf %sub3A_231, %max3A_233 : vector<16xf32>
        %add3A_235 = arith.addf %scan3A_158, %max3A_234 : vector<16xf32>
        %mul3A_236 = arith.mulf %max3A_234, %max3A_234 : vector<16xf32>
        %add3A_237 = arith.addf %scan3A_162, %mul3A_236 : vector<16xf32>
        %add3A_238 = arith.constant 3 : i32
        %add3A_239 = vector.broadcast %add3A_238 : i32 to vector<16xi32>
        %add3A_240 = arith.addi %scan3A_164, %add3A_239 : vector<16xi32>
        %gather3A_241 = tpu.vector_load_idx %arg8[%add3A_240] : memref<40000xf32, #tpu.memory_space<vmem>>[vector<16xi32>], vector<16xf32>,
        %add3A_242 = arith.constant 3 : i32
        %add3A_243 = vector.broadcast %add3A_242 : i32 to vector<16xi32>
        %add3A_244 = arith.addi %scan3A_165, %add3A_243 : vector<16xi32>
        %gather3A_245 = tpu.vector_load_idx %arg9[%add3A_244] : memref<40000xf32, #tpu.memory_space<vmem>>[vector<16xi32>], vector<16xf32>,
        %sub3A_246 = arith.subf %gather3A_241, %gather3A_245 : vector<16xf32>
        %max3A_247 = arith.constant 0.000000e+00 : f32
        %max3A_248 = vector.broadcast %max3A_247 : f32 to vector<16xf32>
        %max3A_249 = arith.maximumf %sub3A_246, %max3A_248 : vector<16xf32>
        %add3A_250 = arith.addf %scan3A_159, %max3A_249 : vector<16xf32>
        %mul3A_251 = arith.mulf %max3A_249, %max3A_249 : vector<16xf32>
        %add3A_252 = arith.addf %scan3A_163, %mul3A_251 : vector<16xf32>
        %broadcast_in_dim3A_253 = vector.broadcast %scan3A_166 : i1 to vector<16xi1>
        %not3A = arith.constant dense<true> : vector<16xi1>
        %not3A_254 = arith.xori %broadcast_in_dim3A_253, %not3A : vector<16xi1>
        %add3A_255 = arith.constant 0 : i32
        %add3A_256 = vector.broadcast %add3A_255 : i32 to vector<16xi32>
        %add3A_257 = arith.addi %scan3A_165, %add3A_256 : vector<16xi32>
        %gather3A_258 = tpu.vector_load_idx %arg10[%add3A_257] : memref<40000xf32, #tpu.memory_space<vmem>>[vector<16xi32>], vector<16xf32>,
        %add3A_259 = arith.constant 1 : i32
        %add3A_260 = vector.broadcast %add3A_259 : i32 to vector<16xi32>
        %add3A_261 = arith.addi %scan3A_165, %add3A_260 : vector<16xi32>
        %gather3A_262 = tpu.vector_load_idx %arg10[%add3A_261] : memref<40000xf32, #tpu.memory_space<vmem>>[vector<16xi32>], vector<16xf32>,
        %add3A_263 = arith.constant 2 : i32
        %add3A_264 = vector.broadcast %add3A_263 : i32 to vector<16xi32>
        %add3A_265 = arith.addi %scan3A_165, %add3A_264 : vector<16xi32>
        %gather3A_266 = tpu.vector_load_idx %arg10[%add3A_265] : memref<40000xf32, #tpu.memory_space<vmem>>[vector<16xi32>], vector<16xf32>,
        %add3A_267 = arith.constant 3 : i32
        %add3A_268 = vector.broadcast %add3A_267 : i32 to vector<16xi32>
        %add3A_269 = arith.addi %scan3A_165, %add3A_268 : vector<16xi32>
        %gather3A_270 = tpu.vector_load_idx %arg10[%add3A_269] : memref<40000xf32, #tpu.memory_space<vmem>>[vector<16xi32>], vector<16xf32>,
        %add3A_271 = arith.constant 0 : i32
        %add3A_272 = vector.broadcast %add3A_271 : i32 to vector<16xi32>
        %add3A_273 = arith.addi %scan3A_165, %add3A_272 : vector<16xi32>
        %max3A_274 = arith.maximumf %gather3A_258, %max3A_204 : vector<16xf32>
        tpu.vector_store_idx %arg10[%add3A_273], %max3A_274 masked %not3A_254 : memref<40000xf32, #tpu.memory_space<vmem>>[vector<16xi32>], vector<16xf32>, vector<16xi1>
        %add3A_275 = arith.constant 1 : i32
        %add3A_276 = vector.broadcast %add3A_275 : i32 to vector<16xi32>
        %add3A_277 = arith.addi %scan3A_165, %add3A_276 : vector<16xi32>
        %max3A_278 = arith.maximumf %gather3A_262, %max3A_219 : vector<16xf32>
        tpu.vector_store_idx %arg10[%add3A_277], %max3A_278 masked %not3A_254 : memref<40000xf32, #tpu.memory_space<vmem>>[vector<16xi32>], vector<16xf32>, vector<16xi1>
        %add3A_279 = arith.constant 2 : i32
        %add3A_280 = vector.broadcast %add3A_279 : i32 to vector<16xi32>
        %add3A_281 = arith.addi %scan3A_165, %add3A_280 : vector<16xi32>
        %max3A_282 = arith.maximumf %gather3A_266, %max3A_234 : vector<16xf32>
        tpu.vector_store_idx %arg10[%add3A_281], %max3A_282 masked %not3A_254 : memref<40000xf32, #tpu.memory_space<vmem>>[vector<16xi32>], vector<16xf32>, vector<16xi1>
        %add3A_283 = arith.constant 3 : i32
        %add3A_284 = vector.broadcast %add3A_283 : i32 to vector<16xi32>
        %add3A_285 = arith.addi %scan3A_165, %add3A_284 : vector<16xi32>
        %max3A_286 = arith.maximumf %gather3A_270, %max3A_249 : vector<16xf32>
        tpu.vector_store_idx %arg10[%add3A_285], %max3A_286 masked %not3A_254 : memref<40000xf32, #tpu.memory_space<vmem>>[vector<16xi32>], vector<16xf32>, vector<16xi1>
        %convert_element_type3A_287 = arith.extui %scan3A_166 : i1 to i32
        %cond3A_288 = arith.constant 0 : i32
        %cond3A_289 = arith.cmpi ne, %convert_element_type3A_287, %cond3A_288 : i32
        scf.if %cond3A_289 {
          %broadcast_in_dim3A_417 = arith.constant true
          %broadcast_in_dim3A_418 = vector.broadcast %broadcast_in_dim3A_417 : i1 to vector<16xi1>
          %unique3A_419, %unique3A_420 = tpu.scan_count mask(%broadcast_in_dim3A_418 : vector<16xi1>) value(%scan3A_165 : vector<16xi32>) : vector<16xi1>, vector<16xi32>
          %while3A = scf.while (%while3A_421 = %reduce_min3A_17) : (i32) -> i32 {
            %ge3A = vector.broadcast %while3A_421 : i32 to vector<16xi32>
            %ge3A_422 = arith.cmpi sge, %unique3A_420, %ge3A : vector<16xi32>
            %reduce_or3A_423 = arith.constant 1.000000e+00 : f32
            %reduce_or3A_424 = arith.constant 0.000000e+00 : f32
            %reduce_or3A_425 = vector.broadcast %reduce_or3A_423 : f32 to vector<16xf32>
            %reduce_or3A_426 = vector.broadcast %reduce_or3A_424 : f32 to vector<16xf32>
            %reduce_or3A_427 = arith.select %ge3A_422, %reduce_or3A_425, %reduce_or3A_426 : vector<16xi1>, vector<16xf32>
            %reduce_or3A_428 = arith.constant true
            %reduce_or3A_429 = vector.broadcast %reduce_or3A_428 : i1 to vector<16xi1>
            %reduce_or3A_430 = tpu.scan <max>, %reduce_or3A_427 masked %reduce_or3A_429 : vector<16xf32>, vector<16xi1> -> vector<16xf32>
            %reduce_or3A_431 = vector.extract %reduce_or3A_430[15] : f32 from vector<16xf32>
            %reduce_or3A_432 = arith.constant 0.000000e+00 : f32
            %reduce_or3A_433 = arith.cmpf ogt, %reduce_or3A_431, %reduce_or3A_432 : f32
            scf.condition(%reduce_or3A_433) %while3A_421 : i32
          } do {
          ^bb0(%while3A_421: i32):
            %eq3A = vector.broadcast %while3A_421 : i32 to vector<16xi32>
            %eq3A_422 = arith.cmpi eq, %unique3A_420, %eq3A : vector<16xi32>
            %add3A_423 = arith.constant 0 : i32
            %add3A_424 = vector.broadcast %add3A_423 : i32 to vector<16xi32>
            %add3A_425 = arith.addi %scan3A_165, %add3A_424 : vector<16xi32>
            %gather3A_426 = tpu.vector_load_idx %arg10[%add3A_425] : memref<40000xf32, #tpu.memory_space<vmem>>[vector<16xi32>], vector<16xf32>,
            %add3A_427 = arith.constant 0 : i32
            %add3A_428 = vector.broadcast %add3A_427 : i32 to vector<16xi32>
            %add3A_429 = arith.addi %scan3A_165, %add3A_428 : vector<16xi32>
            %max3A_430 = arith.maximumf %gather3A_426, %max3A_204 : vector<16xf32>
            tpu.vector_store_idx %arg10[%add3A_429], %max3A_430 masked %eq3A_422 : memref<40000xf32, #tpu.memory_space<vmem>>[vector<16xi32>], vector<16xf32>, vector<16xi1>
            %add3A_431 = arith.constant 1 : i32
            %add3A_432 = vector.broadcast %add3A_431 : i32 to vector<16xi32>
            %add3A_433 = arith.addi %scan3A_165, %add3A_432 : vector<16xi32>
            %gather3A_434 = tpu.vector_load_idx %arg10[%add3A_433] : memref<40000xf32, #tpu.memory_space<vmem>>[vector<16xi32>], vector<16xf32>,
            %add3A_435 = arith.constant 1 : i32
            %add3A_436 = vector.broadcast %add3A_435 : i32 to vector<16xi32>
            %add3A_437 = arith.addi %scan3A_165, %add3A_436 : vector<16xi32>
            %max3A_438 = arith.maximumf %gather3A_434, %max3A_219 : vector<16xf32>
            tpu.vector_store_idx %arg10[%add3A_437], %max3A_438 masked %eq3A_422 : memref<40000xf32, #tpu.memory_space<vmem>>[vector<16xi32>], vector<16xf32>, vector<16xi1>
            %add3A_439 = arith.constant 2 : i32
            %add3A_440 = vector.broadcast %add3A_439 : i32 to vector<16xi32>
            %add3A_441 = arith.addi %scan3A_165, %add3A_440 : vector<16xi32>
            %gather3A_442 = tpu.vector_load_idx %arg10[%add3A_441] : memref<40000xf32, #tpu.memory_space<vmem>>[vector<16xi32>], vector<16xf32>,
            %add3A_443 = arith.constant 2 : i32
            %add3A_444 = vector.broadcast %add3A_443 : i32 to vector<16xi32>
            %add3A_445 = arith.addi %scan3A_165, %add3A_444 : vector<16xi32>
            %max3A_446 = arith.maximumf %gather3A_442, %max3A_234 : vector<16xf32>
            tpu.vector_store_idx %arg10[%add3A_445], %max3A_446 masked %eq3A_422 : memref<40000xf32, #tpu.memory_space<vmem>>[vector<16xi32>], vector<16xf32>, vector<16xi1>
            %add3A_447 = arith.constant 3 : i32
            %add3A_448 = vector.broadcast %add3A_447 : i32 to vector<16xi32>
            %add3A_449 = arith.addi %scan3A_165, %add3A_448 : vector<16xi32>
            %gather3A_450 = tpu.vector_load_idx %arg10[%add3A_449] : memref<40000xf32, #tpu.memory_space<vmem>>[vector<16xi32>], vector<16xf32>,
            %add3A_451 = arith.constant 3 : i32
            %add3A_452 = vector.broadcast %add3A_451 : i32 to vector<16xi32>
            %add3A_453 = arith.addi %scan3A_165, %add3A_452 : vector<16xi32>
            %max3A_454 = arith.maximumf %gather3A_450, %max3A_249 : vector<16xf32>
            tpu.vector_store_idx %arg10[%add3A_453], %max3A_454 masked %eq3A_422 : memref<40000xf32, #tpu.memory_space<vmem>>[vector<16xi32>], vector<16xf32>, vector<16xi1>
            %add3A_455 = arith.constant 1 : i32
            %add3A_456 = arith.addi %while3A_421, %add3A_455 : i32
            scf.yield %add3A_456 : i32
          }
        } else {
        }
        %scan3A_290 = arith.constant 1 : i32
        %scan3A_291 = arith.addi %scan3A_155, %scan3A_290 : i32
        %shift_right_logical3A_292 = arith.constant 3 : i32
        %shift_right_logical3A_293 = vector.broadcast %shift_right_logical3A_292 : i32 to vector<16xi32>
        %shift_right_logical3A_294 = arith.shrui %get3A_194, %shift_right_logical3A_293 : vector<16xi32>
        tpu.vector_store_idx %arg15[%shift_right_logical3A_294], %iota3A_18 : memref<5000xi32, #tpu.memory_space<vmem>>[vector<16xi32>], vector<16xi32>,
        %gather3A_295 = tpu.vector_load_idx %arg15[%shift_right_logical3A_294] : memref<5000xi32, #tpu.memory_space<vmem>>[vector<16xi32>], vector<16xi32>,
        %ne3A_296 = arith.cmpi ne, %gather3A_295, %iota3A_18 : vector<16xi32>
        %reduce_or3A_297 = arith.constant 1.000000e+00 : f32
        %reduce_or3A_298 = arith.constant 0.000000e+00 : f32
        %reduce_or3A_299 = vector.broadcast %reduce_or3A_297 : f32 to vector<16xf32>
        %reduce_or3A_300 = vector.broadcast %reduce_or3A_298 : f32 to vector<16xf32>
        %reduce_or3A_301 = arith.select %ne3A_296, %reduce_or3A_299, %reduce_or3A_300 : vector<16xi1>, vector<16xf32>
        %reduce_or3A_302 = arith.constant true
        %reduce_or3A_303 = vector.broadcast %reduce_or3A_302 : i1 to vector<16xi1>
        %reduce_or3A_304 = tpu.scan <max>, %reduce_or3A_301 masked %reduce_or3A_303 : vector<16xf32>, vector<16xi1> -> vector<16xf32>
        %reduce_or3A_305 = vector.extract %reduce_or3A_304[15] : f32 from vector<16xf32>
        %reduce_or3A_306 = arith.constant 0.000000e+00 : f32
        %reduce_or3A_307 = arith.cmpf ogt, %reduce_or3A_305, %reduce_or3A_306 : f32
        %add3A_308 = arith.constant 2 : i32
        %add3A_309 = arith.addi %scan3A_291, %add3A_308 : i32
        %min3A_310 = arith.constant 79 : i32
        %min3A_311 = arith.minsi %add3A_309, %min3A_310 : i32
        %mul3A_312 = arith.constant 16 : i32
        %mul3A_313 = arith.muli %min3A_311, %mul3A_312 : i32
        %multiple_of3A_314 = tpu.assume_multiple %mul3A_313, 16 : i32
        %get3A_315 = arith.index_cast %multiple_of3A_314 : i32 to index
        %get3A_316 = tpu.vector_load %arg13[%get3A_315] {strides = array<i32>} : memref<1280xi32, #tpu.memory_space<vmem>>, vector<16xi32>,
        %get3A_317 = arith.index_cast %multiple_of3A_314 : i32 to index
        %get3A_318 = tpu.vector_load %arg14[%get3A_317] {strides = array<i32>} : memref<1280xi32, #tpu.memory_space<vmem>>, vector<16xi32>,
        %add3A_319 = arith.constant 0 : i32
        %add3A_320 = vector.broadcast %add3A_319 : i32 to vector<16xi32>
        %add3A_321 = arith.addi %scan3A_167, %add3A_320 : vector<16xi32>
        %gather3A_322 = tpu.vector_load_idx %arg8[%add3A_321] : memref<40000xf32, #tpu.memory_space<vmem>>[vector<16xi32>], vector<16xf32>,
        %add3A_323 = arith.constant 0 : i32
        %add3A_324 = vector.broadcast %add3A_323 : i32 to vector<16xi32>
        %add3A_325 = arith.addi %scan3A_168, %add3A_324 : vector<16xi32>
        %gather3A_326 = tpu.vector_load_idx %arg9[%add3A_325] : memref<40000xf32, #tpu.memory_space<vmem>>[vector<16xi32>], vector<16xf32>,
        %sub3A_327 = arith.subf %gather3A_322, %gather3A_326 : vector<16xf32>
        %max3A_328 = arith.constant 0.000000e+00 : f32
        %max3A_329 = vector.broadcast %max3A_328 : f32 to vector<16xf32>
        %max3A_330 = arith.maximumf %sub3A_327, %max3A_329 : vector<16xf32>
        %add3A_331 = arith.addf %add3A_205, %max3A_330 : vector<16xf32>
        %mul3A_332 = arith.mulf %max3A_330, %max3A_330 : vector<16xf32>
        %add3A_333 = arith.addf %add3A_207, %mul3A_332 : vector<16xf32>
        %add3A_334 = arith.constant 1 : i32
        %add3A_335 = vector.broadcast %add3A_334 : i32 to vector<16xi32>
        %add3A_336 = arith.addi %scan3A_167, %add3A_335 : vector<16xi32>
        %gather3A_337 = tpu.vector_load_idx %arg8[%add3A_336] : memref<40000xf32, #tpu.memory_space<vmem>>[vector<16xi32>], vector<16xf32>,
        %add3A_338 = arith.constant 1 : i32
        %add3A_339 = vector.broadcast %add3A_338 : i32 to vector<16xi32>
        %add3A_340 = arith.addi %scan3A_168, %add3A_339 : vector<16xi32>
        %gather3A_341 = tpu.vector_load_idx %arg9[%add3A_340] : memref<40000xf32, #tpu.memory_space<vmem>>[vector<16xi32>], vector<16xf32>,
        %sub3A_342 = arith.subf %gather3A_337, %gather3A_341 : vector<16xf32>
        %max3A_343 = arith.constant 0.000000e+00 : f32
        %max3A_344 = vector.broadcast %max3A_343 : f32 to vector<16xf32>
        %max3A_345 = arith.maximumf %sub3A_342, %max3A_344 : vector<16xf32>
        %add3A_346 = arith.addf %add3A_220, %max3A_345 : vector<16xf32>
        %mul3A_347 = arith.mulf %max3A_345, %max3A_345 : vector<16xf32>
        %add3A_348 = arith.addf %add3A_222, %mul3A_347 : vector<16xf32>
        %add3A_349 = arith.constant 2 : i32
        %add3A_350 = vector.broadcast %add3A_349 : i32 to vector<16xi32>
        %add3A_351 = arith.addi %scan3A_167, %add3A_350 : vector<16xi32>
        %gather3A_352 = tpu.vector_load_idx %arg8[%add3A_351] : memref<40000xf32, #tpu.memory_space<vmem>>[vector<16xi32>], vector<16xf32>,
        %add3A_353 = arith.constant 2 : i32
        %add3A_354 = vector.broadcast %add3A_353 : i32 to vector<16xi32>
        %add3A_355 = arith.addi %scan3A_168, %add3A_354 : vector<16xi32>
        %gather3A_356 = tpu.vector_load_idx %arg9[%add3A_355] : memref<40000xf32, #tpu.memory_space<vmem>>[vector<16xi32>], vector<16xf32>,
        %sub3A_357 = arith.subf %gather3A_352, %gather3A_356 : vector<16xf32>
        %max3A_358 = arith.constant 0.000000e+00 : f32
        %max3A_359 = vector.broadcast %max3A_358 : f32 to vector<16xf32>
        %max3A_360 = arith.maximumf %sub3A_357, %max3A_359 : vector<16xf32>
        %add3A_361 = arith.addf %add3A_235, %max3A_360 : vector<16xf32>
        %mul3A_362 = arith.mulf %max3A_360, %max3A_360 : vector<16xf32>
        %add3A_363 = arith.addf %add3A_237, %mul3A_362 : vector<16xf32>
        %add3A_364 = arith.constant 3 : i32
        %add3A_365 = vector.broadcast %add3A_364 : i32 to vector<16xi32>
        %add3A_366 = arith.addi %scan3A_167, %add3A_365 : vector<16xi32>
        %gather3A_367 = tpu.vector_load_idx %arg8[%add3A_366] : memref<40000xf32, #tpu.memory_space<vmem>>[vector<16xi32>], vector<16xf32>,
        %add3A_368 = arith.constant 3 : i32
        %add3A_369 = vector.broadcast %add3A_368 : i32 to vector<16xi32>
        %add3A_370 = arith.addi %scan3A_168, %add3A_369 : vector<16xi32>
        %gather3A_371 = tpu.vector_load_idx %arg9[%add3A_370] : memref<40000xf32, #tpu.memory_space<vmem>>[vector<16xi32>], vector<16xf32>,
        %sub3A_372 = arith.subf %gather3A_367, %gather3A_371 : vector<16xf32>
        %max3A_373 = arith.constant 0.000000e+00 : f32
        %max3A_374 = vector.broadcast %max3A_373 : f32 to vector<16xf32>
        %max3A_375 = arith.maximumf %sub3A_372, %max3A_374 : vector<16xf32>
        %add3A_376 = arith.addf %add3A_250, %max3A_375 : vector<16xf32>
        %mul3A_377 = arith.mulf %max3A_375, %max3A_375 : vector<16xf32>
        %add3A_378 = arith.addf %add3A_252, %mul3A_377 : vector<16xf32>
        %broadcast_in_dim3A_379 = vector.broadcast %reduce_or3A_184 : i1 to vector<16xi1>
        %not3A_380 = arith.constant dense<true> : vector<16xi1>
        %not3A_381 = arith.xori %broadcast_in_dim3A_379, %not3A_380 : vector<16xi1>
        %add3A_382 = arith.constant 0 : i32
        %add3A_383 = vector.broadcast %add3A_382 : i32 to vector<16xi32>
        %add3A_384 = arith.addi %scan3A_168, %add3A_383 : vector<16xi32>
        %gather3A_385 = tpu.vector_load_idx %arg10[%add3A_384] : memref<40000xf32, #tpu.memory_space<vmem>>[vector<16xi32>], vector<16xf32>,
        %add3A_386 = arith.constant 1 : i32
        %add3A_387 = vector.broadcast %add3A_386 : i32 to vector<16xi32>
        %add3A_388 = arith.addi %scan3A_168, %add3A_387 : vector<16xi32>
        %gather3A_389 = tpu.vector_load_idx %arg10[%add3A_388] : memref<40000xf32, #tpu.memory_space<vmem>>[vector<16xi32>], vector<16xf32>,
        %add3A_390 = arith.constant 2 : i32
        %add3A_391 = vector.broadcast %add3A_390 : i32 to vector<16xi32>
        %add3A_392 = arith.addi %scan3A_168, %add3A_391 : vector<16xi32>
        %gather3A_393 = tpu.vector_load_idx %arg10[%add3A_392] : memref<40000xf32, #tpu.memory_space<vmem>>[vector<16xi32>], vector<16xf32>,
        %add3A_394 = arith.constant 3 : i32
        %add3A_395 = vector.broadcast %add3A_394 : i32 to vector<16xi32>
        %add3A_396 = arith.addi %scan3A_168, %add3A_395 : vector<16xi32>
        %gather3A_397 = tpu.vector_load_idx %arg10[%add3A_396] : memref<40000xf32, #tpu.memory_space<vmem>>[vector<16xi32>], vector<16xf32>,
        %add3A_398 = arith.constant 0 : i32
        %add3A_399 = vector.broadcast %add3A_398 : i32 to vector<16xi32>
        %add3A_400 = arith.addi %scan3A_168, %add3A_399 : vector<16xi32>
        %max3A_401 = arith.maximumf %gather3A_385, %max3A_330 : vector<16xf32>
        tpu.vector_store_idx %arg10[%add3A_400], %max3A_401 masked %not3A_381 : memref<40000xf32, #tpu.memory_space<vmem>>[vector<16xi32>], vector<16xf32>, vector<16xi1>
        %add3A_402 = arith.constant 1 : i32
        %add3A_403 = vector.broadcast %add3A_402 : i32 to vector<16xi32>
        %add3A_404 = arith.addi %scan3A_168, %add3A_403 : vector<16xi32>
        %max3A_405 = arith.maximumf %gather3A_389, %max3A_345 : vector<16xf32>
        tpu.vector_store_idx %arg10[%add3A_404], %max3A_405 masked %not3A_381 : memref<40000xf32, #tpu.memory_space<vmem>>[vector<16xi32>], vector<16xf32>, vector<16xi1>
        %add3A_406 = arith.constant 2 : i32
        %add3A_407 = vector.broadcast %add3A_406 : i32 to vector<16xi32>
        %add3A_408 = arith.addi %scan3A_168, %add3A_407 : vector<16xi32>
        %max3A_409 = arith.maximumf %gather3A_393, %max3A_360 : vector<16xf32>
        tpu.vector_store_idx %arg10[%add3A_408], %max3A_409 masked %not3A_381 : memref<40000xf32, #tpu.memory_space<vmem>>[vector<16xi32>], vector<16xf32>, vector<16xi1>
        %add3A_410 = arith.constant 3 : i32
        %add3A_411 = vector.broadcast %add3A_410 : i32 to vector<16xi32>
        %add3A_412 = arith.addi %scan3A_168, %add3A_411 : vector<16xi32>
        %max3A_413 = arith.maximumf %gather3A_397, %max3A_375 : vector<16xf32>
        tpu.vector_store_idx %arg10[%add3A_412], %max3A_413 masked %not3A_381 : memref<40000xf32, #tpu.memory_space<vmem>>[vector<16xi32>], vector<16xf32>, vector<16xi1>
        %convert_element_type3A_414 = arith.extui %reduce_or3A_184 : i1 to i32
        %cond3A_415 = arith.constant 0 : i32
        %cond3A_416 = arith.cmpi ne, %convert_element_type3A_414, %cond3A_415 : i32
        scf.if %cond3A_416 {
          %broadcast_in_dim3A_417 = arith.constant true
          %broadcast_in_dim3A_418 = vector.broadcast %broadcast_in_dim3A_417 : i1 to vector<16xi1>
          %unique3A_419, %unique3A_420 = tpu.scan_count mask(%broadcast_in_dim3A_418 : vector<16xi1>) value(%scan3A_168 : vector<16xi32>) : vector<16xi1>, vector<16xi32>
          %while3A = scf.while (%while3A_421 = %reduce_min3A_17) : (i32) -> i32 {
            %ge3A = vector.broadcast %while3A_421 : i32 to vector<16xi32>
            %ge3A_422 = arith.cmpi sge, %unique3A_420, %ge3A : vector<16xi32>
            %reduce_or3A_423 = arith.constant 1.000000e+00 : f32
            %reduce_or3A_424 = arith.constant 0.000000e+00 : f32
            %reduce_or3A_425 = vector.broadcast %reduce_or3A_423 : f32 to vector<16xf32>
            %reduce_or3A_426 = vector.broadcast %reduce_or3A_424 : f32 to vector<16xf32>
            %reduce_or3A_427 = arith.select %ge3A_422, %reduce_or3A_425, %reduce_or3A_426 : vector<16xi1>, vector<16xf32>
            %reduce_or3A_428 = arith.constant true
            %reduce_or3A_429 = vector.broadcast %reduce_or3A_428 : i1 to vector<16xi1>
            %reduce_or3A_430 = tpu.scan <max>, %reduce_or3A_427 masked %reduce_or3A_429 : vector<16xf32>, vector<16xi1> -> vector<16xf32>
            %reduce_or3A_431 = vector.extract %reduce_or3A_430[15] : f32 from vector<16xf32>
            %reduce_or3A_432 = arith.constant 0.000000e+00 : f32
            %reduce_or3A_433 = arith.cmpf ogt, %reduce_or3A_431, %reduce_or3A_432 : f32
            scf.condition(%reduce_or3A_433) %while3A_421 : i32
          } do {
          ^bb0(%while3A_421: i32):
            %eq3A = vector.broadcast %while3A_421 : i32 to vector<16xi32>
            %eq3A_422 = arith.cmpi eq, %unique3A_420, %eq3A : vector<16xi32>
            %add3A_423 = arith.constant 0 : i32
            %add3A_424 = vector.broadcast %add3A_423 : i32 to vector<16xi32>
            %add3A_425 = arith.addi %scan3A_168, %add3A_424 : vector<16xi32>
            %gather3A_426 = tpu.vector_load_idx %arg10[%add3A_425] : memref<40000xf32, #tpu.memory_space<vmem>>[vector<16xi32>], vector<16xf32>,
            %add3A_427 = arith.constant 0 : i32
            %add3A_428 = vector.broadcast %add3A_427 : i32 to vector<16xi32>
            %add3A_429 = arith.addi %scan3A_168, %add3A_428 : vector<16xi32>
            %max3A_430 = arith.maximumf %gather3A_426, %max3A_330 : vector<16xf32>
            tpu.vector_store_idx %arg10[%add3A_429], %max3A_430 masked %eq3A_422 : memref<40000xf32, #tpu.memory_space<vmem>>[vector<16xi32>], vector<16xf32>, vector<16xi1>
            %add3A_431 = arith.constant 1 : i32
            %add3A_432 = vector.broadcast %add3A_431 : i32 to vector<16xi32>
            %add3A_433 = arith.addi %scan3A_168, %add3A_432 : vector<16xi32>
            %gather3A_434 = tpu.vector_load_idx %arg10[%add3A_433] : memref<40000xf32, #tpu.memory_space<vmem>>[vector<16xi32>], vector<16xf32>,
            %add3A_435 = arith.constant 1 : i32
            %add3A_436 = vector.broadcast %add3A_435 : i32 to vector<16xi32>
            %add3A_437 = arith.addi %scan3A_168, %add3A_436 : vector<16xi32>
            %max3A_438 = arith.maximumf %gather3A_434, %max3A_345 : vector<16xf32>
            tpu.vector_store_idx %arg10[%add3A_437], %max3A_438 masked %eq3A_422 : memref<40000xf32, #tpu.memory_space<vmem>>[vector<16xi32>], vector<16xf32>, vector<16xi1>
            %add3A_439 = arith.constant 2 : i32
            %add3A_440 = vector.broadcast %add3A_439 : i32 to vector<16xi32>
            %add3A_441 = arith.addi %scan3A_168, %add3A_440 : vector<16xi32>
            %gather3A_442 = tpu.vector_load_idx %arg10[%add3A_441] : memref<40000xf32, #tpu.memory_space<vmem>>[vector<16xi32>], vector<16xf32>,
            %add3A_443 = arith.constant 2 : i32
            %add3A_444 = vector.broadcast %add3A_443 : i32 to vector<16xi32>
            %add3A_445 = arith.addi %scan3A_168, %add3A_444 : vector<16xi32>
            %max3A_446 = arith.maximumf %gather3A_442, %max3A_360 : vector<16xf32>
            tpu.vector_store_idx %arg10[%add3A_445], %max3A_446 masked %eq3A_422 : memref<40000xf32, #tpu.memory_space<vmem>>[vector<16xi32>], vector<16xf32>, vector<16xi1>
            %add3A_447 = arith.constant 3 : i32
            %add3A_448 = vector.broadcast %add3A_447 : i32 to vector<16xi32>
            %add3A_449 = arith.addi %scan3A_168, %add3A_448 : vector<16xi32>
            %gather3A_450 = tpu.vector_load_idx %arg10[%add3A_449] : memref<40000xf32, #tpu.memory_space<vmem>>[vector<16xi32>], vector<16xf32>,
            %add3A_451 = arith.constant 3 : i32
            %add3A_452 = vector.broadcast %add3A_451 : i32 to vector<16xi32>
            %add3A_453 = arith.addi %scan3A_168, %add3A_452 : vector<16xi32>
            %max3A_454 = arith.maximumf %gather3A_450, %max3A_375 : vector<16xf32>
            tpu.vector_store_idx %arg10[%add3A_453], %max3A_454 masked %eq3A_422 : memref<40000xf32, #tpu.memory_space<vmem>>[vector<16xi32>], vector<16xf32>, vector<16xi1>
            %add3A_455 = arith.constant 1 : i32
            %add3A_456 = arith.addi %while3A_421, %add3A_455 : i32
            scf.yield %add3A_456 : i32
          }
        } else {
        }
        scf.yield %add3A_331, %add3A_346, %add3A_361, %add3A_376, %add3A_333, %add3A_348, %add3A_363, %add3A_378, %get3A_192, %get3A_194, %reduce_or3A_307, %get3A_316, %get3A_318 : vector<16xf32>, vector<16xf32>, vector<16xf32>, vector<16xf32>, vector<16xf32>, vector<16xf32>, vector<16xf32>, vector<16xf32>, vector<16xi32>, vector<16xi32>, i1, vector<16xi32>, vector<16xi32>
      }
      %scan3A_154 = arith.constant 80 : i32
      scf.yield %scan3A_153#0, %scan3A_153#1, %scan3A_153#2, %scan3A_153#3, %scan3A_153#4, %scan3A_153#5, %scan3A_153#6, %scan3A_153#7, %scan3A_153#8, %scan3A_153#9, %scan3A_153#10, %scan3A_153#11, %scan3A_153#12 : vector<16xf32>, vector<16xf32>, vector<16xf32>, vector<16xf32>, vector<16xf32>, vector<16xf32>, vector<16xf32>, vector<16xf32>, vector<16xi32>, vector<16xi32>, i1, vector<16xi32>, vector<16xi32>
    }
    %scan3A_36 = arith.constant 125 : i32
    %swap3A = arith.constant 0 : index
    %swap3A_37 = tpu.vector_load %arg16[%swap3A] {strides = array<i32>} : memref<128xf32, #tpu.memory_space<vmem>>, vector<16xf32>,
    tpu.vector_store %arg16[%swap3A], %scan3A_35#0 {strides = array<i32>} : memref<128xf32, #tpu.memory_space<vmem>>, vector<16xf32>,
    %swap3A_38 = arith.constant 16 : index
    %swap3A_39 = tpu.vector_load %arg16[%swap3A_38] {strides = array<i32>} : memref<128xf32, #tpu.memory_space<vmem>>, vector<16xf32>,
    tpu.vector_store %arg16[%swap3A_38], %scan3A_35#1 {strides = array<i32>} : memref<128xf32, #tpu.memory_space<vmem>>, vector<16xf32>,
    %swap3A_40 = arith.constant 32 : index
    %swap3A_41 = tpu.vector_load %arg16[%swap3A_40] {strides = array<i32>} : memref<128xf32, #tpu.memory_space<vmem>>, vector<16xf32>,
    tpu.vector_store %arg16[%swap3A_40], %scan3A_35#2 {strides = array<i32>} : memref<128xf32, #tpu.memory_space<vmem>>, vector<16xf32>,
    %swap3A_42 = arith.constant 48 : index
    %swap3A_43 = tpu.vector_load %arg16[%swap3A_42] {strides = array<i32>} : memref<128xf32, #tpu.memory_space<vmem>>, vector<16xf32>,
    tpu.vector_store %arg16[%swap3A_42], %scan3A_35#3 {strides = array<i32>} : memref<128xf32, #tpu.memory_space<vmem>>, vector<16xf32>,
    %swap3A_44 = arith.constant 64 : index
    %swap3A_45 = tpu.vector_load %arg16[%swap3A_44] {strides = array<i32>} : memref<128xf32, #tpu.memory_space<vmem>>, vector<16xf32>,
    tpu.vector_store %arg16[%swap3A_44], %scan3A_35#4 {strides = array<i32>} : memref<128xf32, #tpu.memory_space<vmem>>, vector<16xf32>,
    %swap3A_46 = arith.constant 80 : index
    %swap3A_47 = tpu.vector_load %arg16[%swap3A_46] {strides = array<i32>} : memref<128xf32, #tpu.memory_space<vmem>>, vector<16xf32>,
    tpu.vector_store %arg16[%swap3A_46], %scan3A_35#5 {strides = array<i32>} : memref<128xf32, #tpu.memory_space<vmem>>, vector<16xf32>,
    %swap3A_48 = arith.constant 96 : index
    %swap3A_49 = tpu.vector_load %arg16[%swap3A_48] {strides = array<i32>} : memref<128xf32, #tpu.memory_space<vmem>>, vector<16xf32>,
    tpu.vector_store %arg16[%swap3A_48], %scan3A_35#6 {strides = array<i32>} : memref<128xf32, #tpu.memory_space<vmem>>, vector<16xf32>,
    %swap3A_50 = arith.constant 112 : index
    %swap3A_51 = tpu.vector_load %arg16[%swap3A_50] {strides = array<i32>} : memref<128xf32, #tpu.memory_space<vmem>>, vector<16xf32>,
    tpu.vector_store %arg16[%swap3A_50], %scan3A_35#7 {strides = array<i32>} : memref<128xf32, #tpu.memory_space<vmem>>, vector<16xf32>,
    "tpu.region"() ({
      %run_scoped3A = tpu.sem_alloc : memref<!tpu.dma_semaphore, #tpu.memory_space<semaphore_mem>>
      %dma_start3A_52 = arith.constant 0 : i32
      %dma_start3A_53 = tpu.memref_slice %arg7[%add3A, %dma_start3A_52] : memref<32x128xf32, #tpu.memory_space<hbm>> -> memref<1x128xf32, #tpu.memory_space<hbm>>
      %dma_start3A_54 = tpu.memref_squeeze %dma_start3A_53 : memref<1x128xf32, #tpu.memory_space<hbm>> -> memref<128xf32, #tpu.memory_space<hbm>>
      %dma_start3A_55 = arith.constant 0 : i32
      %dma_start3A_56 = tpu.memref_slice %arg7[%add3A, %dma_start3A_55] : memref<32x128xf32, #tpu.memory_space<hbm>> -> memref<1x128xf32, #tpu.memory_space<hbm>>
      %dma_start3A_57 = tpu.memref_squeeze %dma_start3A_56 : memref<1x128xf32, #tpu.memory_space<hbm>> -> memref<128xf32, #tpu.memory_space<hbm>>
      tpu.enqueue_dma source(%arg16 : memref<128xf32, #tpu.memory_space<vmem>>) target(%dma_start3A_57 : memref<128xf32, #tpu.memory_space<hbm>>) target_semaphore(%run_scoped3A : memref<!tpu.dma_semaphore, #tpu.memory_space<semaphore_mem>>)
      %dma_wait3A = arith.constant 0 : i32
      %dma_wait3A_58 = tpu.memref_slice %arg7[%add3A, %dma_wait3A] : memref<32x128xf32, #tpu.memory_space<hbm>> -> memref<1x128xf32, #tpu.memory_space<hbm>>
      %dma_wait3A_59 = tpu.memref_squeeze %dma_wait3A_58 : memref<1x128xf32, #tpu.memory_space<hbm>> -> memref<128xf32, #tpu.memory_space<hbm>>
      %dma_wait3A_60 = arith.constant 0 : i32
      %dma_wait3A_61 = tpu.memref_slice %arg7[%add3A, %dma_wait3A_60] : memref<32x128xf32, #tpu.memory_space<hbm>> -> memref<1x128xf32, #tpu.memory_space<hbm>>
      %dma_wait3A_62 = tpu.memref_squeeze %dma_wait3A_61 : memref<1x128xf32, #tpu.memory_space<hbm>> -> memref<128xf32, #tpu.memory_space<hbm>>
      tpu.wait_dma2 semaphore(%run_scoped3A : memref<!tpu.dma_semaphore, #tpu.memory_space<semaphore_mem>>) src(%arg16 : memref<128xf32, #tpu.memory_space<vmem>>) dst(%dma_wait3A_62 : memref<128xf32, #tpu.memory_space<hbm>>)
      tpu.yield
    }) : () -> ()
    "tpu.region"() ({
      %run_scoped3A = tpu.sem_alloc : memref<!tpu.dma_semaphore, #tpu.memory_space<semaphore_mem>>
      %dma_start3A_52 = arith.constant 0 : i32
      %dma_start3A_53 = tpu.memref_slice %arg6[%add3A, %dma_start3A_52] : memref<32x40000xf32, #tpu.memory_space<hbm>> -> memref<1x40000xf32, #tpu.memory_space<hbm>>
      %dma_start3A_54 = tpu.memref_squeeze %dma_start3A_53 : memref<1x40000xf32, #tpu.memory_space<hbm>> -> memref<40000xf32, #tpu.memory_space<hbm>>
      %dma_start3A_55 = arith.constant 0 : i32
      %dma_start3A_56 = tpu.memref_slice %arg6[%add3A, %dma_start3A_55] : memref<32x40000xf32, #tpu.memory_space<hbm>> -> memref<1x40000xf32, #tpu.memory_space<hbm>>
      %dma_start3A_57 = tpu.memref_squeeze %dma_start3A_56 : memref<1x40000xf32, #tpu.memory_space<hbm>> -> memref<40000xf32, #tpu.memory_space<hbm>>
      tpu.enqueue_dma source(%arg10 : memref<40000xf32, #tpu.memory_space<vmem>>) target(%dma_start3A_57 : memref<40000xf32, #tpu.memory_space<hbm>>) target_semaphore(%run_scoped3A : memref<!tpu.dma_semaphore, #tpu.memory_space<semaphore_mem>>)
      %dma_wait3A = arith.constant 0 : i32
      %dma_wait3A_58 = tpu.memref_slice %arg6[%add3A, %dma_wait3A] : memref<32x40000xf32, #tpu.memory_space<hbm>> -> memref<1x40000xf32, #tpu.memory_space<hbm>>
      %dma_wait3A_59 = tpu.memref_squeeze %dma_wait3A_58 : memref<1x40000xf32, #tpu.memory_space<hbm>> -> memref<40000xf32, #tpu.memory_space<hbm>>
      %dma_wait3A_60 = arith.constant 0 : i32
      %dma_wait3A_61 = tpu.memref_slice %arg6[%add3A, %dma_wait3A_60] : memref<32x40000xf32, #tpu.memory_space<hbm>> -> memref<1x40000xf32, #tpu.memory_space<hbm>>
      %dma_wait3A_62 = tpu.memref_squeeze %dma_wait3A_61 : memref<1x40000xf32, #tpu.memory_space<hbm>> -> memref<40000xf32, #tpu.memory_space<hbm>>
      tpu.wait_dma2 semaphore(%run_scoped3A : memref<!tpu.dma_semaphore, #tpu.memory_space<semaphore_mem>>) src(%arg10 : memref<40000xf32, #tpu.memory_space<vmem>>) dst(%dma_wait3A_62 : memref<40000xf32, #tpu.memory_space<hbm>>)
      tpu.yield
    }) : () -> ()
    return
  }
}

module attributes {stable_mosaic.version = 14 : i64} {
  func.func @_phase1_body(%arg0: memref<10000x128xf32, #tpu.memory_space<vmem>>, %arg1: memref<10000x3xf32, #tpu.memory_space<vmem>>, %arg2: memref<128x64xf32, #tpu.memory_space<vmem>>, %arg3: memref<1x64xf32, #tpu.memory_space<vmem>>, %arg4: memref<1x64xf32, #tpu.memory_space<vmem>>, %arg5: memref<1x64xf32, #tpu.memory_space<vmem>>, %arg6: memref<64x3xf32, #tpu.memory_space<vmem>>, %arg7: memref<1x3xf32, #tpu.memory_space<vmem>>, %arg8: memref<128x128xf32, #tpu.memory_space<vmem>>, %arg9: memref<3x128xf32, #tpu.memory_space<vmem>>, %arg10: memref<1x128xf32, #tpu.memory_space<vmem>>, %arg11: memref<10000x128xf32, #tpu.memory_space<vmem>>, %arg12: memref<10000x128xf32, #tpu.memory_space<vmem>>) attributes {dimension_semantics = [], scalar_prefetch = 0 : i64, scratch_operands = 0 : i64, tpu.core_type = #tpu.core_type<tc>} {
    %get3A = arith.constant 0 : index
    %get3A_0 = arith.constant 0 : index
    %get3A_1 = vector.load %arg0[%get3A, %get3A_0] : memref<10000x128xf32, #tpu.memory_space<vmem>>, vector<10000x128xf32>
    %get3A_2 = arith.constant 0 : index
    %get3A_3 = arith.constant 0 : index
    %get3A_4 = vector.load %arg1[%get3A_2, %get3A_3] : memref<10000x3xf32, #tpu.memory_space<vmem>>, vector<10000x3xf32>
    %get3A_5 = arith.constant 0 : index
    %get3A_6 = arith.constant 0 : index
    %get3A_7 = vector.load %arg2[%get3A_5, %get3A_6] : memref<128x64xf32, #tpu.memory_space<vmem>>, vector<128x64xf32>
    %convert_element_type3A = arith.truncf %get3A_1 : vector<10000x128xf32> to vector<10000x128xbf16>
    %convert_element_type3A_8 = arith.truncf %get3A_7 : vector<128x64xf32> to vector<128x64xbf16>
    %dot_general3A = arith.constant dense<0.000000e+00> : vector<10000x64xf32>
    %dot_general3A_9 = tpu.matmul %convert_element_type3A, %convert_element_type3A_8, %dot_general3A {dimension_numbers = #tpu.dot_dimension_numbers<[1], [0], [0], [1], [0, 0, 1, 1], [], []>, transpose_lhs_hint = false} : vector<10000x128xbf16>, vector<128x64xbf16>, vector<10000x64xf32> -> vector<10000x64xf32>
    %get3A_10 = arith.constant 0 : index
    %get3A_11 = arith.constant 0 : index
    %get3A_12 = vector.load %arg3[%get3A_10, %get3A_11] : memref<1x64xf32, #tpu.memory_space<vmem>>, vector<1x64xf32>
    %add3A = vector.broadcast %get3A_12 : vector<1x64xf32> to vector<10000x64xf32>
    %add3A_13 = arith.addf %dot_general3A_9, %add3A : vector<10000x64xf32>
    %max3A = arith.constant 0.000000e+00 : f32
    %max3A_14 = vector.broadcast %max3A : f32 to vector<10000x64xf32>
    %max3A_15 = arith.maximumf %add3A_13, %max3A_14 : vector<10000x64xf32>
    %reduce_sum3A = arith.constant dense<0.000000e+00> : vector<64xf32>
    %reduce_sum3A_16 = vector.multi_reduction <add>, %max3A_15, %reduce_sum3A [0] : vector<10000x64xf32> to vector<64xf32>
    %broadcast_in_dim3A = vector.shape_cast %reduce_sum3A_16 : vector<64xf32> to vector<1x64xf32>
    %div3A = arith.constant 1.000000e+04 : f32
    %div3A_17 = vector.broadcast %div3A : f32 to vector<1x64xf32>
    %div3A_18 = arith.divf %broadcast_in_dim3A, %div3A_17 : vector<1x64xf32>
    %sub3A = vector.broadcast %div3A_18 : vector<1x64xf32> to vector<10000x64xf32>
    %sub3A_19 = arith.subf %max3A_15, %sub3A : vector<10000x64xf32>
    %integer_pow3A = arith.mulf %sub3A_19, %sub3A_19 : vector<10000x64xf32>
    %reduce_sum3A_20 = arith.constant dense<0.000000e+00> : vector<64xf32>
    %reduce_sum3A_21 = vector.multi_reduction <add>, %integer_pow3A, %reduce_sum3A_20 [0] : vector<10000x64xf32> to vector<64xf32>
    %broadcast_in_dim3A_22 = vector.shape_cast %reduce_sum3A_21 : vector<64xf32> to vector<1x64xf32>
    %div3A_23 = arith.constant 1.000000e+04 : f32
    %div3A_24 = vector.broadcast %div3A_23 : f32 to vector<1x64xf32>
    %div3A_25 = arith.divf %broadcast_in_dim3A_22, %div3A_24 : vector<1x64xf32>
    %get3A_26 = arith.constant 0 : index
    %get3A_27 = arith.constant 0 : index
    %get3A_28 = vector.load %arg4[%get3A_26, %get3A_27] : memref<1x64xf32, #tpu.memory_space<vmem>>, vector<1x64xf32>
    %sub3A_29 = vector.broadcast %div3A_18 : vector<1x64xf32> to vector<10000x64xf32>
    %sub3A_30 = arith.subf %max3A_15, %sub3A_29 : vector<10000x64xf32>
    %mul3A = vector.broadcast %get3A_28 : vector<1x64xf32> to vector<10000x64xf32>
    %mul3A_31 = arith.mulf %mul3A, %sub3A_30 : vector<10000x64xf32>
    %add3A_32 = arith.constant 1.000000e-03 : f32
    %add3A_33 = vector.broadcast %add3A_32 : f32 to vector<1x64xf32>
    %add3A_34 = arith.addf %div3A_25, %add3A_33 : vector<1x64xf32>
    %rsqrt3A = math.rsqrt %add3A_34 : vector<1x64xf32>
    %mul3A_35 = vector.broadcast %rsqrt3A : vector<1x64xf32> to vector<10000x64xf32>
    %mul3A_36 = arith.mulf %mul3A_31, %mul3A_35 : vector<10000x64xf32>
    %get3A_37 = arith.constant 0 : index
    %get3A_38 = arith.constant 0 : index
    %get3A_39 = vector.load %arg5[%get3A_37, %get3A_38] : memref<1x64xf32, #tpu.memory_space<vmem>>, vector<1x64xf32>
    %add3A_40 = vector.broadcast %get3A_39 : vector<1x64xf32> to vector<10000x64xf32>
    %add3A_41 = arith.addf %mul3A_36, %add3A_40 : vector<10000x64xf32>
    %get3A_42 = arith.constant 0 : index
    %get3A_43 = arith.constant 0 : index
    %get3A_44 = vector.load %arg6[%get3A_42, %get3A_43] : memref<64x3xf32, #tpu.memory_space<vmem>>, vector<64x3xf32>
    %convert_element_type3A_45 = arith.truncf %add3A_41 : vector<10000x64xf32> to vector<10000x64xbf16>
    %convert_element_type3A_46 = arith.truncf %get3A_44 : vector<64x3xf32> to vector<64x3xbf16>
    %dot_general3A_47 = arith.constant dense<0.000000e+00> : vector<10000x3xf32>
    %dot_general3A_48 = tpu.matmul %convert_element_type3A_45, %convert_element_type3A_46, %dot_general3A_47 {dimension_numbers = #tpu.dot_dimension_numbers<[1], [0], [0], [1], [0, 0, 1, 1], [], []>, transpose_lhs_hint = false} : vector<10000x64xbf16>, vector<64x3xbf16>, vector<10000x3xf32> -> vector<10000x3xf32>
    %get3A_49 = arith.constant 0 : index
    %get3A_50 = arith.constant 0 : index
    %get3A_51 = vector.load %arg7[%get3A_49, %get3A_50] : memref<1x3xf32, #tpu.memory_space<vmem>>, vector<1x3xf32>
    %add3A_52 = vector.broadcast %get3A_51 : vector<1x3xf32> to vector<10000x3xf32>
    %add3A_53 = arith.addf %dot_general3A_48, %add3A_52 : vector<10000x3xf32>
    %add3A_54 = arith.addf %get3A_4, %add3A_53 : vector<10000x3xf32>
    %get3A_55 = arith.constant 0 : index
    %get3A_56 = arith.constant 0 : index
    %get3A_57 = vector.load %arg8[%get3A_55, %get3A_56] : memref<128x128xf32, #tpu.memory_space<vmem>>, vector<128x128xf32>
    %convert_element_type3A_58 = arith.truncf %get3A_1 : vector<10000x128xf32> to vector<10000x128xbf16>
    %convert_element_type3A_59 = arith.truncf %get3A_57 : vector<128x128xf32> to vector<128x128xbf16>
    %dot_general3A_60 = arith.constant dense<0.000000e+00> : vector<10000x128xf32>
    %dot_general3A_61 = tpu.matmul %convert_element_type3A_58, %convert_element_type3A_59, %dot_general3A_60 {dimension_numbers = #tpu.dot_dimension_numbers<[1], [0], [0], [1], [0, 0, 1, 1], [], []>, transpose_lhs_hint = false} : vector<10000x128xbf16>, vector<128x128xbf16>, vector<10000x128xf32> -> vector<10000x128xf32>
    %get3A_62 = arith.constant 0 : index
    %get3A_63 = arith.constant 0 : index
    %get3A_64 = vector.load %arg9[%get3A_62, %get3A_63] : memref<3x128xf32, #tpu.memory_space<vmem>>, vector<3x128xf32>
    %convert_element_type3A_65 = arith.truncf %get3A_4 : vector<10000x3xf32> to vector<10000x3xbf16>
    %convert_element_type3A_66 = arith.truncf %get3A_64 : vector<3x128xf32> to vector<3x128xbf16>
    %dot_general3A_67 = arith.constant dense<0.000000e+00> : vector<10000x128xf32>
    %dot_general3A_68 = tpu.matmul %convert_element_type3A_65, %convert_element_type3A_66, %dot_general3A_67 {dimension_numbers = #tpu.dot_dimension_numbers<[1], [0], [0], [1], [0, 0, 1, 1], [], []>, transpose_lhs_hint = false} : vector<10000x3xbf16>, vector<3x128xbf16>, vector<10000x128xf32> -> vector<10000x128xf32>
    %add3A_69 = arith.addf %dot_general3A_61, %dot_general3A_68 : vector<10000x128xf32>
    %get3A_70 = arith.constant 0 : index
    %get3A_71 = arith.constant 0 : index
    %get3A_72 = vector.load %arg10[%get3A_70, %get3A_71] : memref<1x128xf32, #tpu.memory_space<vmem>>, vector<1x128xf32>
    %add3A_73 = vector.broadcast %get3A_72 : vector<1x128xf32> to vector<10000x128xf32>
    %add3A_74 = arith.addf %add3A_69, %add3A_73 : vector<10000x128xf32>
    %swap3A = arith.constant 0 : index
    %swap3A_75 = arith.constant 0 : index
    %swap3A_76 = vector.load %arg11[%swap3A, %swap3A_75] : memref<10000x128xf32, #tpu.memory_space<vmem>>, vector<10000x128xf32>
    tpu.vector_store %arg11[%swap3A, %swap3A_75], %add3A_74 {strides = array<i32>} : memref<10000x128xf32, #tpu.memory_space<vmem>>, vector<10000x128xf32>,
    %get3A_77 = arith.constant 0 : index
    %get3A_78 = arith.constant 0 : index
    %get3A_79 = vector.load %arg9[%get3A_77, %get3A_78] : memref<3x128xf32, #tpu.memory_space<vmem>>, vector<3x128xf32>
    %convert_element_type3A_80 = arith.truncf %add3A_54 : vector<10000x3xf32> to vector<10000x3xbf16>
    %convert_element_type3A_81 = arith.truncf %get3A_79 : vector<3x128xf32> to vector<3x128xbf16>
    %dot_general3A_82 = arith.constant dense<0.000000e+00> : vector<10000x128xf32>
    %dot_general3A_83 = tpu.matmul %convert_element_type3A_80, %convert_element_type3A_81, %dot_general3A_82 {dimension_numbers = #tpu.dot_dimension_numbers<[1], [0], [0], [1], [0, 0, 1, 1], [], []>, transpose_lhs_hint = false} : vector<10000x3xbf16>, vector<3x128xbf16>, vector<10000x128xf32> -> vector<10000x128xf32>
    %swap3A_84 = arith.constant 0 : index
    %swap3A_85 = arith.constant 0 : index
    %swap3A_86 = vector.load %arg12[%swap3A_84, %swap3A_85] : memref<10000x128xf32, #tpu.memory_space<vmem>>, vector<10000x128xf32>
    tpu.vector_store %arg12[%swap3A_84, %swap3A_85], %dot_general3A_83 {strides = array<i32>} : memref<10000x128xf32, #tpu.memory_space<vmem>>, vector<10000x128xf32>,
    return
  }
}

module attributes {stable_mosaic.version = 14 : i64} {
  func.func @_phase3_body(%arg0: memref<10000x128xf32, #tpu.memory_space<vmem>>, %arg1: memref<32x128xf32, #tpu.memory_space<vmem>>, %arg2: memref<10000x128xf32, #tpu.memory_space<vmem>>, %arg3: memref<1x128xf32, #tpu.memory_space<vmem>>, %arg4: memref<1x128xf32, #tpu.memory_space<vmem>>, %arg5: memref<128x128xf32, #tpu.memory_space<vmem>>, %arg6: memref<1x128xf32, #tpu.memory_space<vmem>>, %arg7: memref<1x128xf32, #tpu.memory_space<vmem>>, %arg8: memref<1x128xf32, #tpu.memory_space<vmem>>, %arg9: memref<128x128xf32, #tpu.memory_space<vmem>>, %arg10: memref<1x128xf32, #tpu.memory_space<vmem>>, %arg11: memref<10000x128xf32, #tpu.memory_space<vmem>>) attributes {dimension_semantics = [], scalar_prefetch = 0 : i64, scratch_operands = 0 : i64, tpu.core_type = #tpu.core_type<tc>} {
    %get3A = arith.constant 0 : index
    %get3A_0 = arith.constant 0 : index
    %get3A_1 = vector.load %arg1[%get3A, %get3A_0] : memref<32x128xf32, #tpu.memory_space<vmem>>, vector<32x128xf32>
    %iota3A = tpu.iota {dimensions = array<i32: 0>} : vector<128x32xi32>
    %iota3A_2 = tpu.iota {dimensions = array<i32: 1>} : vector<128x32xi32>
    %jit3A = arith.constant 4 : i32
    %div3A = vector.broadcast %jit3A : i32 to vector<128x32xi32>
    %div3A_3 = arith.divsi %iota3A, %div3A : vector<128x32xi32>
    %sign3A = arith.constant 0 : i32
    %sign3A_4 = vector.broadcast %sign3A : i32 to vector<128x32xi32>
    %sign3A_5 = arith.cmpi sgt, %iota3A, %sign3A_4 : vector<128x32xi32>
    %sign3A_6 = arith.extui %sign3A_5 : vector<128x32xi1> to vector<128x32xi32>
    %sign3A_7 = arith.constant 0 : i32
    %sign3A_8 = vector.broadcast %sign3A_7 : i32 to vector<128x32xi32>
    %sign3A_9 = arith.cmpi slt, %iota3A, %sign3A_8 : vector<128x32xi32>
    %sign3A_10 = arith.extui %sign3A_9 : vector<128x32xi1> to vector<128x32xi32>
    %sign3A_11 = arith.subi %sign3A_6, %sign3A_10 : vector<128x32xi32>
    %sign3A_12 = arith.constant 0 : i32
    %sign3A_13 = arith.cmpi sgt, %jit3A, %sign3A_12 : i32
    %sign3A_14 = arith.extui %sign3A_13 : i1 to i32
    %sign3A_15 = arith.constant 0 : i32
    %sign3A_16 = arith.cmpi slt, %jit3A, %sign3A_15 : i32
    %sign3A_17 = arith.extui %sign3A_16 : i1 to i32
    %sign3A_18 = arith.subi %sign3A_14, %sign3A_17 : i32
    %ne3A = vector.broadcast %sign3A_18 : i32 to vector<128x32xi32>
    %ne3A_19 = arith.cmpi ne, %sign3A_11, %ne3A : vector<128x32xi32>
    %rem3A = vector.broadcast %jit3A : i32 to vector<128x32xi32>
    %rem3A_20 = arith.remsi %iota3A, %rem3A : vector<128x32xi32>
    %ne3A_21 = arith.constant 0 : i32
    %ne3A_22 = vector.broadcast %ne3A_21 : i32 to vector<128x32xi32>
    %ne3A_23 = arith.cmpi ne, %rem3A_20, %ne3A_22 : vector<128x32xi32>
    %and3A = arith.andi %ne3A_19, %ne3A_23 : vector<128x32xi1>
    %sub3A = arith.constant 1 : i32
    %sub3A_24 = vector.broadcast %sub3A : i32 to vector<128x32xi32>
    %sub3A_25 = arith.subi %div3A_3, %sub3A_24 : vector<128x32xi32>
    %select_n3A = arith.select %and3A, %sub3A_25, %div3A_3 : vector<128x32xi1>, vector<128x32xi32>
    %eq3A = arith.cmpi eq, %select_n3A, %iota3A_2 : vector<128x32xi32>
    %jit3A_26 = arith.constant 1.000000e+00 : f32
    %jit3A_27 = arith.constant 0.000000e+00 : f32
    %broadcast_in_dim3A = vector.broadcast %jit3A_26 : f32 to vector<128x32xf32>
    %broadcast_in_dim3A_28 = vector.broadcast %jit3A_27 : f32 to vector<128x32xf32>
    %select_n3A_29 = arith.select %eq3A, %broadcast_in_dim3A, %broadcast_in_dim3A_28 : vector<128x32xi1>, vector<128x32xf32>
    %dot_general3A = arith.constant dense<0.000000e+00> : vector<128x128xf32>
    %dot_general3A_30 = tpu.matmul %select_n3A_29, %get3A_1, %dot_general3A {dimension_numbers = #tpu.dot_dimension_numbers<[1], [0], [0], [1], [0, 0, 1, 1], [], []>, precision = #tpu.contract_precision<fp32>, transpose_lhs_hint = false} : vector<128x32xf32>, vector<32x128xf32>, vector<128x128xf32> -> vector<128x128xf32>
    %iota3A_31 = tpu.iota {dimensions = array<i32: 0>} : vector<128x128xi32>
    %iota3A_32 = tpu.iota {dimensions = array<i32: 1>} : vector<128x128xi32>
    %jit3A_33 = arith.constant 16 : i32
    %div3A_34 = vector.broadcast %jit3A_33 : i32 to vector<128x128xi32>
    %div3A_35 = arith.divsi %iota3A_32, %div3A_34 : vector<128x128xi32>
    %sign3A_36 = arith.constant 0 : i32
    %sign3A_37 = vector.broadcast %sign3A_36 : i32 to vector<128x128xi32>
    %sign3A_38 = arith.cmpi sgt, %iota3A_32, %sign3A_37 : vector<128x128xi32>
    %sign3A_39 = arith.extui %sign3A_38 : vector<128x128xi1> to vector<128x128xi32>
    %sign3A_40 = arith.constant 0 : i32
    %sign3A_41 = vector.broadcast %sign3A_40 : i32 to vector<128x128xi32>
    %sign3A_42 = arith.cmpi slt, %iota3A_32, %sign3A_41 : vector<128x128xi32>
    %sign3A_43 = arith.extui %sign3A_42 : vector<128x128xi1> to vector<128x128xi32>
    %sign3A_44 = arith.subi %sign3A_39, %sign3A_43 : vector<128x128xi32>
    %sign3A_45 = arith.constant 0 : i32
    %sign3A_46 = arith.cmpi sgt, %jit3A_33, %sign3A_45 : i32
    %sign3A_47 = arith.extui %sign3A_46 : i1 to i32
    %sign3A_48 = arith.constant 0 : i32
    %sign3A_49 = arith.cmpi slt, %jit3A_33, %sign3A_48 : i32
    %sign3A_50 = arith.extui %sign3A_49 : i1 to i32
    %sign3A_51 = arith.subi %sign3A_47, %sign3A_50 : i32
    %ne3A_52 = vector.broadcast %sign3A_51 : i32 to vector<128x128xi32>
    %ne3A_53 = arith.cmpi ne, %sign3A_44, %ne3A_52 : vector<128x128xi32>
    %rem3A_54 = vector.broadcast %jit3A_33 : i32 to vector<128x128xi32>
    %rem3A_55 = arith.remsi %iota3A_32, %rem3A_54 : vector<128x128xi32>
    %ne3A_56 = arith.constant 0 : i32
    %ne3A_57 = vector.broadcast %ne3A_56 : i32 to vector<128x128xi32>
    %ne3A_58 = arith.cmpi ne, %rem3A_55, %ne3A_57 : vector<128x128xi32>
    %and3A_59 = arith.andi %ne3A_53, %ne3A_58 : vector<128x128xi1>
    %sub3A_60 = arith.constant 1 : i32
    %sub3A_61 = vector.broadcast %sub3A_60 : i32 to vector<128x128xi32>
    %sub3A_62 = arith.subi %div3A_35, %sub3A_61 : vector<128x128xi32>
    %select_n3A_63 = arith.select %and3A_59, %sub3A_62, %div3A_35 : vector<128x128xi1>, vector<128x128xi32>
    %jit3A_64 = arith.constant 4 : i32
    %eq3A_65 = arith.constant 0 : i32
    %eq3A_66 = arith.cmpi eq, %jit3A_64, %eq3A_65 : i32
    %jit3A_67 = arith.constant 1 : i32
    %select_n3A_68 = arith.select %eq3A_66, %jit3A_67, %jit3A_64 : i32
    %rem3A_69 = vector.broadcast %select_n3A_68 : i32 to vector<128x128xi32>
    %rem3A_70 = arith.remsi %iota3A_31, %rem3A_69 : vector<128x128xi32>
    %ne3A_71 = arith.constant 0 : i32
    %ne3A_72 = vector.broadcast %ne3A_71 : i32 to vector<128x128xi32>
    %ne3A_73 = arith.cmpi ne, %rem3A_70, %ne3A_72 : vector<128x128xi32>
    %lt3A = arith.constant 0 : i32
    %lt3A_74 = vector.broadcast %lt3A : i32 to vector<128x128xi32>
    %lt3A_75 = arith.cmpi slt, %rem3A_70, %lt3A_74 : vector<128x128xi32>
    %lt3A_76 = arith.constant 0 : i32
    %lt3A_77 = arith.cmpi slt, %select_n3A_68, %lt3A_76 : i32
    %ne3A_78 = vector.broadcast %lt3A_77 : i1 to vector<128x128xi1>
    %ne3A_79 = vector.broadcast %ne3A_78 : vector<128x128xi1> to vector<128x128xi1>
    %ne3A_80 = arith.xori %lt3A_75, %ne3A_79 : vector<128x128xi1>
    %and3A_81 = arith.andi %ne3A_80, %ne3A_73 : vector<128x128xi1>
    %add3A = vector.broadcast %select_n3A_68 : i32 to vector<128x128xi32>
    %add3A_82 = arith.addi %rem3A_70, %add3A : vector<128x128xi32>
    %select_n3A_83 = arith.select %and3A_81, %add3A_82, %rem3A_70 : vector<128x128xi1>, vector<128x128xi32>
    %eq3A_84 = arith.cmpi eq, %select_n3A_63, %select_n3A_83 : vector<128x128xi32>
    %jit3A_85 = arith.constant 16 : i32
    %div3A_86 = vector.broadcast %jit3A_85 : i32 to vector<128x128xi32>
    %div3A_87 = arith.divsi %iota3A_32, %div3A_86 : vector<128x128xi32>
    %sign3A_88 = arith.constant 0 : i32
    %sign3A_89 = vector.broadcast %sign3A_88 : i32 to vector<128x128xi32>
    %sign3A_90 = arith.cmpi sgt, %iota3A_32, %sign3A_89 : vector<128x128xi32>
    %sign3A_91 = arith.extui %sign3A_90 : vector<128x128xi1> to vector<128x128xi32>
    %sign3A_92 = arith.constant 0 : i32
    %sign3A_93 = vector.broadcast %sign3A_92 : i32 to vector<128x128xi32>
    %sign3A_94 = arith.cmpi slt, %iota3A_32, %sign3A_93 : vector<128x128xi32>
    %sign3A_95 = arith.extui %sign3A_94 : vector<128x128xi1> to vector<128x128xi32>
    %sign3A_96 = arith.subi %sign3A_91, %sign3A_95 : vector<128x128xi32>
    %sign3A_97 = arith.constant 0 : i32
    %sign3A_98 = arith.cmpi sgt, %jit3A_85, %sign3A_97 : i32
    %sign3A_99 = arith.extui %sign3A_98 : i1 to i32
    %sign3A_100 = arith.constant 0 : i32
    %sign3A_101 = arith.cmpi slt, %jit3A_85, %sign3A_100 : i32
    %sign3A_102 = arith.extui %sign3A_101 : i1 to i32
    %sign3A_103 = arith.subi %sign3A_99, %sign3A_102 : i32
    %ne3A_104 = vector.broadcast %sign3A_103 : i32 to vector<128x128xi32>
    %ne3A_105 = arith.cmpi ne, %sign3A_96, %ne3A_104 : vector<128x128xi32>
    %rem3A_106 = vector.broadcast %jit3A_85 : i32 to vector<128x128xi32>
    %rem3A_107 = arith.remsi %iota3A_32, %rem3A_106 : vector<128x128xi32>
    %ne3A_108 = arith.constant 0 : i32
    %ne3A_109 = vector.broadcast %ne3A_108 : i32 to vector<128x128xi32>
    %ne3A_110 = arith.cmpi ne, %rem3A_107, %ne3A_109 : vector<128x128xi32>
    %and3A_111 = arith.andi %ne3A_105, %ne3A_110 : vector<128x128xi1>
    %sub3A_112 = arith.constant 1 : i32
    %sub3A_113 = vector.broadcast %sub3A_112 : i32 to vector<128x128xi32>
    %sub3A_114 = arith.subi %div3A_87, %sub3A_113 : vector<128x128xi32>
    %select_n3A_115 = arith.select %and3A_111, %sub3A_114, %div3A_87 : vector<128x128xi1>, vector<128x128xi32>
    %jit3A_116 = arith.constant 4 : i32
    %eq3A_117 = arith.constant 0 : i32
    %eq3A_118 = arith.cmpi eq, %jit3A_116, %eq3A_117 : i32
    %jit3A_119 = arith.constant 1 : i32
    %select_n3A_120 = arith.select %eq3A_118, %jit3A_119, %jit3A_116 : i32
    %rem3A_121 = vector.broadcast %select_n3A_120 : i32 to vector<128x128xi32>
    %rem3A_122 = arith.remsi %iota3A_31, %rem3A_121 : vector<128x128xi32>
    %ne3A_123 = arith.constant 0 : i32
    %ne3A_124 = vector.broadcast %ne3A_123 : i32 to vector<128x128xi32>
    %ne3A_125 = arith.cmpi ne, %rem3A_122, %ne3A_124 : vector<128x128xi32>
    %lt3A_126 = arith.constant 0 : i32
    %lt3A_127 = vector.broadcast %lt3A_126 : i32 to vector<128x128xi32>
    %lt3A_128 = arith.cmpi slt, %rem3A_122, %lt3A_127 : vector<128x128xi32>
    %lt3A_129 = arith.constant 0 : i32
    %lt3A_130 = arith.cmpi slt, %select_n3A_120, %lt3A_129 : i32
    %ne3A_131 = vector.broadcast %lt3A_130 : i1 to vector<128x128xi1>
    %ne3A_132 = vector.broadcast %ne3A_131 : vector<128x128xi1> to vector<128x128xi1>
    %ne3A_133 = arith.xori %lt3A_128, %ne3A_132 : vector<128x128xi1>
    %and3A_134 = arith.andi %ne3A_133, %ne3A_125 : vector<128x128xi1>
    %add3A_135 = vector.broadcast %select_n3A_120 : i32 to vector<128x128xi32>
    %add3A_136 = arith.addi %rem3A_122, %add3A_135 : vector<128x128xi32>
    %select_n3A_137 = arith.select %and3A_134, %add3A_136, %rem3A_122 : vector<128x128xi1>, vector<128x128xi32>
    %add3A_138 = arith.constant 4 : i32
    %add3A_139 = vector.broadcast %add3A_138 : i32 to vector<128x128xi32>
    %add3A_140 = arith.addi %add3A_139, %select_n3A_137 : vector<128x128xi32>
    %eq3A_141 = arith.cmpi eq, %select_n3A_115, %add3A_140 : vector<128x128xi32>
    %jit3A_142 = arith.constant 0.000000e+00 : f32
    %broadcast_in_dim3A_143 = vector.broadcast %jit3A_142 : f32 to vector<128x128xf32>
    %select_n3A_144 = arith.select %eq3A_84, %dot_general3A_30, %broadcast_in_dim3A_143 : vector<128x128xi1>, vector<128x128xf32>
    %reduce_sum3A = arith.constant dense<0.000000e+00> : vector<128xf32>
    %reduce_sum3A_145 = vector.multi_reduction <add>, %select_n3A_144, %reduce_sum3A [1] : vector<128x128xf32> to vector<128xf32>
    %broadcast_in_dim3A_146 = vector.shape_cast %reduce_sum3A_145 : vector<128xf32> to vector<128x1xf32>
    %jit3A_147 = arith.constant 0.000000e+00 : f32
    %broadcast_in_dim3A_148 = vector.broadcast %jit3A_147 : f32 to vector<128x128xf32>
    %select_n3A_149 = arith.select %eq3A_141, %dot_general3A_30, %broadcast_in_dim3A_148 : vector<128x128xi1>, vector<128x128xf32>
    %reduce_sum3A_150 = arith.constant dense<0.000000e+00> : vector<128xf32>
    %reduce_sum3A_151 = vector.multi_reduction <add>, %select_n3A_149, %reduce_sum3A_150 [1] : vector<128x128xf32> to vector<128xf32>
    %broadcast_in_dim3A_152 = vector.shape_cast %reduce_sum3A_151 : vector<128xf32> to vector<128x1xf32>
    %eq3A_153 = arith.cmpi eq, %iota3A_31, %iota3A_32 : vector<128x128xi32>
    %jit3A_154 = arith.constant 1.000000e+00 : f32
    %jit3A_155 = arith.constant 0.000000e+00 : f32
    %broadcast_in_dim3A_156 = vector.broadcast %jit3A_154 : f32 to vector<128x128xf32>
    %broadcast_in_dim3A_157 = vector.broadcast %jit3A_155 : f32 to vector<128x128xf32>
    %select_n3A_158 = arith.select %eq3A_153, %broadcast_in_dim3A_156, %broadcast_in_dim3A_157 : vector<128x128xi1>, vector<128x128xf32>
    %broadcast_in_dim3A_159 = arith.constant 1.000000e+00 : f32
    %broadcast_in_dim3A_160 = vector.broadcast %broadcast_in_dim3A_159 : f32 to vector<1x128xf32>
    %mul3A = vector.broadcast %broadcast_in_dim3A_146 : vector<128x1xf32> to vector<128x128xf32>
    %mul3A_161 = arith.mulf %mul3A, %select_n3A_158 : vector<128x128xf32>
    %dot_general3A_162 = arith.constant dense<0.000000e+00> : vector<1x128xf32>
    %dot_general3A_163 = tpu.matmul %broadcast_in_dim3A_160, %mul3A_161, %dot_general3A_162 {dimension_numbers = #tpu.dot_dimension_numbers<[1], [0], [0], [1], [0, 0, 1, 1], [], []>, precision = #tpu.contract_precision<fp32>, transpose_lhs_hint = false} : vector<1x128xf32>, vector<128x128xf32>, vector<1x128xf32> -> vector<1x128xf32>
    %mul3A_164 = vector.broadcast %broadcast_in_dim3A_152 : vector<128x1xf32> to vector<128x128xf32>
    %mul3A_165 = arith.mulf %mul3A_164, %select_n3A_158 : vector<128x128xf32>
    %dot_general3A_166 = arith.constant dense<0.000000e+00> : vector<1x128xf32>
    %dot_general3A_167 = tpu.matmul %broadcast_in_dim3A_160, %mul3A_165, %dot_general3A_166 {dimension_numbers = #tpu.dot_dimension_numbers<[1], [0], [0], [1], [0, 0, 1, 1], [], []>, precision = #tpu.contract_precision<fp32>, transpose_lhs_hint = false} : vector<1x128xf32>, vector<128x128xf32>, vector<1x128xf32> -> vector<1x128xf32>
    %div3A_168 = arith.constant 3.200000e+05 : f32
    %div3A_169 = vector.broadcast %div3A_168 : f32 to vector<1x128xf32>
    %div3A_170 = arith.divf %dot_general3A_163, %div3A_169 : vector<1x128xf32>
    %div3A_171 = arith.constant 3.200000e+05 : f32
    %div3A_172 = vector.broadcast %div3A_171 : f32 to vector<1x128xf32>
    %div3A_173 = arith.divf %dot_general3A_167, %div3A_172 : vector<1x128xf32>
    %mul3A_174 = arith.mulf %div3A_170, %div3A_170 : vector<1x128xf32>
    %sub3A_175 = arith.subf %div3A_173, %mul3A_174 : vector<1x128xf32>
    %max3A = arith.constant 0.000000e+00 : f32
    %max3A_176 = vector.broadcast %max3A : f32 to vector<1x128xf32>
    %max3A_177 = arith.maximumf %sub3A_175, %max3A_176 : vector<1x128xf32>
    %get3A_178 = arith.constant 0 : index
    %get3A_179 = arith.constant 0 : index
    %get3A_180 = vector.load %arg0[%get3A_178, %get3A_179] : memref<10000x128xf32, #tpu.memory_space<vmem>>, vector<10000x128xf32>
    %get3A_181 = arith.constant 0 : index
    %get3A_182 = arith.constant 0 : index
    %get3A_183 = vector.load %arg3[%get3A_181, %get3A_182] : memref<1x128xf32, #tpu.memory_space<vmem>>, vector<1x128xf32>
    %sub3A_184 = vector.broadcast %div3A_170 : vector<1x128xf32> to vector<10000x128xf32>
    %sub3A_185 = arith.subf %get3A_180, %sub3A_184 : vector<10000x128xf32>
    %mul3A_186 = vector.broadcast %get3A_183 : vector<1x128xf32> to vector<10000x128xf32>
    %mul3A_187 = arith.mulf %mul3A_186, %sub3A_185 : vector<10000x128xf32>
    %add3A_188 = arith.constant 1.000000e-03 : f32
    %add3A_189 = vector.broadcast %add3A_188 : f32 to vector<1x128xf32>
    %add3A_190 = arith.addf %max3A_177, %add3A_189 : vector<1x128xf32>
    %rsqrt3A = math.rsqrt %add3A_190 : vector<1x128xf32>
    %mul3A_191 = vector.broadcast %rsqrt3A : vector<1x128xf32> to vector<10000x128xf32>
    %mul3A_192 = arith.mulf %mul3A_187, %mul3A_191 : vector<10000x128xf32>
    %get3A_193 = arith.constant 0 : index
    %get3A_194 = arith.constant 0 : index
    %get3A_195 = vector.load %arg4[%get3A_193, %get3A_194] : memref<1x128xf32, #tpu.memory_space<vmem>>, vector<1x128xf32>
    %add3A_196 = vector.broadcast %get3A_195 : vector<1x128xf32> to vector<10000x128xf32>
    %add3A_197 = arith.addf %mul3A_192, %add3A_196 : vector<10000x128xf32>
    %get3A_198 = arith.constant 0 : index
    %get3A_199 = arith.constant 0 : index
    %get3A_200 = vector.load %arg5[%get3A_198, %get3A_199] : memref<128x128xf32, #tpu.memory_space<vmem>>, vector<128x128xf32>
    %convert_element_type3A = arith.truncf %add3A_197 : vector<10000x128xf32> to vector<10000x128xbf16>
    %convert_element_type3A_201 = arith.truncf %get3A_200 : vector<128x128xf32> to vector<128x128xbf16>
    %dot_general3A_202 = arith.constant dense<0.000000e+00> : vector<10000x128xf32>
    %dot_general3A_203 = tpu.matmul %convert_element_type3A, %convert_element_type3A_201, %dot_general3A_202 {dimension_numbers = #tpu.dot_dimension_numbers<[1], [0], [0], [1], [0, 0, 1, 1], [], []>, transpose_lhs_hint = false} : vector<10000x128xbf16>, vector<128x128xbf16>, vector<10000x128xf32> -> vector<10000x128xf32>
    %get3A_204 = arith.constant 0 : index
    %get3A_205 = arith.constant 0 : index
    %get3A_206 = vector.load %arg6[%get3A_204, %get3A_205] : memref<1x128xf32, #tpu.memory_space<vmem>>, vector<1x128xf32>
    %add3A_207 = vector.broadcast %get3A_206 : vector<1x128xf32> to vector<10000x128xf32>
    %add3A_208 = arith.addf %dot_general3A_203, %add3A_207 : vector<10000x128xf32>
    %max3A_209 = arith.constant 0.000000e+00 : f32
    %max3A_210 = vector.broadcast %max3A_209 : f32 to vector<10000x128xf32>
    %max3A_211 = arith.maximumf %add3A_208, %max3A_210 : vector<10000x128xf32>
    %reduce_sum3A_212 = arith.constant dense<0.000000e+00> : vector<128xf32>
    %reduce_sum3A_213 = vector.multi_reduction <add>, %max3A_211, %reduce_sum3A_212 [0] : vector<10000x128xf32> to vector<128xf32>
    %broadcast_in_dim3A_214 = vector.shape_cast %reduce_sum3A_213 : vector<128xf32> to vector<1x128xf32>
    %div3A_215 = arith.constant 1.000000e+04 : f32
    %div3A_216 = vector.broadcast %div3A_215 : f32 to vector<1x128xf32>
    %div3A_217 = arith.divf %broadcast_in_dim3A_214, %div3A_216 : vector<1x128xf32>
    %sub3A_218 = vector.broadcast %div3A_217 : vector<1x128xf32> to vector<10000x128xf32>
    %sub3A_219 = arith.subf %max3A_211, %sub3A_218 : vector<10000x128xf32>
    %integer_pow3A = arith.mulf %sub3A_219, %sub3A_219 : vector<10000x128xf32>
    %reduce_sum3A_220 = arith.constant dense<0.000000e+00> : vector<128xf32>
    %reduce_sum3A_221 = vector.multi_reduction <add>, %integer_pow3A, %reduce_sum3A_220 [0] : vector<10000x128xf32> to vector<128xf32>
    %broadcast_in_dim3A_222 = vector.shape_cast %reduce_sum3A_221 : vector<128xf32> to vector<1x128xf32>
    %div3A_223 = arith.constant 1.000000e+04 : f32
    %div3A_224 = vector.broadcast %div3A_223 : f32 to vector<1x128xf32>
    %div3A_225 = arith.divf %broadcast_in_dim3A_222, %div3A_224 : vector<1x128xf32>
    %get3A_226 = arith.constant 0 : index
    %get3A_227 = arith.constant 0 : index
    %get3A_228 = vector.load %arg7[%get3A_226, %get3A_227] : memref<1x128xf32, #tpu.memory_space<vmem>>, vector<1x128xf32>
    %sub3A_229 = vector.broadcast %div3A_217 : vector<1x128xf32> to vector<10000x128xf32>
    %sub3A_230 = arith.subf %max3A_211, %sub3A_229 : vector<10000x128xf32>
    %mul3A_231 = vector.broadcast %get3A_228 : vector<1x128xf32> to vector<10000x128xf32>
    %mul3A_232 = arith.mulf %mul3A_231, %sub3A_230 : vector<10000x128xf32>
    %add3A_233 = arith.constant 1.000000e-03 : f32
    %add3A_234 = vector.broadcast %add3A_233 : f32 to vector<1x128xf32>
    %add3A_235 = arith.addf %div3A_225, %add3A_234 : vector<1x128xf32>
    %rsqrt3A_236 = math.rsqrt %add3A_235 : vector<1x128xf32>
    %mul3A_237 = vector.broadcast %rsqrt3A_236 : vector<1x128xf32> to vector<10000x128xf32>
    %mul3A_238 = arith.mulf %mul3A_232, %mul3A_237 : vector<10000x128xf32>
    %get3A_239 = arith.constant 0 : index
    %get3A_240 = arith.constant 0 : index
    %get3A_241 = vector.load %arg8[%get3A_239, %get3A_240] : memref<1x128xf32, #tpu.memory_space<vmem>>, vector<1x128xf32>
    %add3A_242 = vector.broadcast %get3A_241 : vector<1x128xf32> to vector<10000x128xf32>
    %add3A_243 = arith.addf %mul3A_238, %add3A_242 : vector<10000x128xf32>
    %get3A_244 = arith.constant 0 : index
    %get3A_245 = arith.constant 0 : index
    %get3A_246 = vector.load %arg9[%get3A_244, %get3A_245] : memref<128x128xf32, #tpu.memory_space<vmem>>, vector<128x128xf32>
    %convert_element_type3A_247 = arith.truncf %add3A_243 : vector<10000x128xf32> to vector<10000x128xbf16>
    %convert_element_type3A_248 = arith.truncf %get3A_246 : vector<128x128xf32> to vector<128x128xbf16>
    %dot_general3A_249 = arith.constant dense<0.000000e+00> : vector<10000x128xf32>
    %dot_general3A_250 = tpu.matmul %convert_element_type3A_247, %convert_element_type3A_248, %dot_general3A_249 {dimension_numbers = #tpu.dot_dimension_numbers<[1], [0], [0], [1], [0, 0, 1, 1], [], []>, transpose_lhs_hint = false} : vector<10000x128xbf16>, vector<128x128xbf16>, vector<10000x128xf32> -> vector<10000x128xf32>
    %get3A_251 = arith.constant 0 : index
    %get3A_252 = arith.constant 0 : index
    %get3A_253 = vector.load %arg10[%get3A_251, %get3A_252] : memref<1x128xf32, #tpu.memory_space<vmem>>, vector<1x128xf32>
    %add3A_254 = vector.broadcast %get3A_253 : vector<1x128xf32> to vector<10000x128xf32>
    %add3A_255 = arith.addf %dot_general3A_250, %add3A_254 : vector<10000x128xf32>
    %get3A_256 = arith.constant 0 : index
    %get3A_257 = arith.constant 0 : index
    %get3A_258 = vector.load %arg2[%get3A_256, %get3A_257] : memref<10000x128xf32, #tpu.memory_space<vmem>>, vector<10000x128xf32>
    %add3A_259 = arith.addf %add3A_255, %get3A_258 : vector<10000x128xf32>
    %swap3A = arith.constant 0 : index
    %swap3A_260 = arith.constant 0 : index
    %swap3A_261 = vector.load %arg11[%swap3A, %swap3A_260] : memref<10000x128xf32, #tpu.memory_space<vmem>>, vector<10000x128xf32>
    tpu.vector_store %arg11[%swap3A, %swap3A_260], %add3A_259 {strides = array<i32>} : memref<10000x128xf32, #tpu.memory_space<vmem>>, vector<10000x128xf32>,
    return
  }
}

</mosaic_0001>

<sc_bundles>
// kernel: kernel.5.cloned.1.call-start
scs
__scs_entry_jumppad:
0x0: {  	(pc) =	sbr.rel $0x88, $3  }
0x1: {  	(tag) =	ssettag $0x0;
	lr =	simm.s32 $0x1  }
0x2: {  	[smem:$0x3F8E] =	sst lr;
	_ =	strace $0xD0000000  }
0x3: {  	_ = 	snop  }
0x4: {  	_ = 	snop  }
0x5: {  	_ = 	snop  }
0x6: {  	_ = 	snop  }
0x7: {  	_ = 	snop  }
__scs_overlays_trampoline_lowered:
0x8: {  	[smem:$0x3F9D] =	sst s0  }
0x9: {  	[smem:$0x3F9E] =	sst s1  }
0xa: {  	[smem:$0x3F9F] =	sst s2  }
0xb: {  	[smem:$0x3FA0] =	sst s3  }
0xc: {  	[smem:$0x3FA1] =	sst s4  }
0xd: {  	[smem:$0x3FA2] =	sst s5  }
0xe: {  	[smem:$0x3FA3] =	sst s6  }
0xf: {  	[smem:$0x3FA4] =	sst s7  }
0x10: {  	[smem:$0x3FA5] =	sst s8  }
0x11: {  	[smem:$0x3FA6] =	sst s9;
	s0 =	simm.s32 @!p0 $0x0  }
0x12: {  	s1 =	sld [smem:$0x3F8C];
	s0 =	simm.s32 @p0 $0x1  }
0x13: {  	[smem:$0x3FA7] =	sst s0;
	s0 =	simm.s32 @!p1 $0x0  }
0x14: {  	s2 =	sld [smem:$0x3F8B];
	s0 =	simm.s32 @p1 $0x1  }
0x15: {  	[smem:$0x3FA8] =	sst s0;
	s0 =	simm.s32 @!p2 $0x0  }
0x16: {  	s3 =	sld [smem:$0x3FDB];
	s0 =	simm.s32 @p2 $0x1  }
0x17: {  	s4 =	simm.s32 $0x1BF5;
	[smem:$0x3FAA] =	sst s0  }
0x18: {  	s0 =	sld [smem:$0x3F8D];
	_ =	swait.ge [sflag:s4], $0x0  }
0x19: {  	s7 =	sld [smem:$0x3F8E]  }
0x1a: {  	s8 =	sadd.s32 $0xFFFFE003, lr  }
0x1b: {  	s9 =	sadd.s32 $0xFFFFFEF7, lr;
	s5 =	simm.s32 $0xFFFFFFFF;
	p2 =	slt.u32 s8, $0xFFFFF086  }
0x1c: {  	p1 =	slt.u32 s9, $0xF7A;
	s5 =	simm.s32 @!p2 $0x0  }
0x1d: {  	s5 =	simm.s32 @p1 $0x1;
	p0 =	seq.s32 s7, s2  }
0x1e: {  	s7 =	smul.u32 @!p0 $0xF7A, s2;
	p2 =	seq.s32 @!p0 s5, $0x0  }
0x1f: {  	s9 =	smul.u32 $0xF7A, s1;
	s8 =	simm.s32 @!p0 $0x1BF5;
	p2 =	por !p2, p0  }
0x20: {  	[sflag:s8] =	ssyncset.s32 @!p0 $0xFFFFF086;
	s6 =	sadd.s32 @!p0 s3, s7;
	s7 =	simm.s32 @!p0 $0x108  }
0x21: {  	s3 =	sadd.s32 s3, s9;
	s6 =	sadd.s32 @!p0 $0x88, s6;
	s7 =	simm.s32 @p2 $0x1082  }
0x22: {  	[simem:s7], [sflag:s8] =	dma.local @!p0 [hbm:s6], $0xF7A  }
0x23: {  	s9 =	sor.u32 $0xD0000000, s2;
	s6 =	simm.s32 $0x108;
	_ =	swait.ge @!p0 [sflag:s8], $0x0  }
0x24: {  	s3 =	sadd.s32 $0x88, s3;
	s6 =	simm.s32 @!p1 $0x1082;
	[sflag:s4] =	ssyncset.s32 $0xFFFFF086  }
0x25: {  	[simem:s6], [sflag:s4] =	dma.local [hbm:s3], $0xF7A  }
0x26: {  	[smem:$0x3F8E] =	sst s1;
	(tag) =	ssettag s2;
	_ =	strace s9  }
0x27: {  	s1 =	sld [smem:$0x3F9E]  }
0x28: {  	s2 =	sld [smem:$0x3F9F]  }
0x29: {  	s4 =	sld [smem:$0x3FA1]  }
0x2a: {  	p0 =	seq.s32 s5, $0x0;
	s5 =	sld [smem:$0x3FA2]  }
0x2b: {  	s6 =	sld [smem:$0x3FA3]  }
0x2c: {  	s7 =	sld [smem:$0x3FA4]  }
0x2d: {  	s3 =	simm.s32 $0x108;
	s8 =	sld [smem:$0x3FA5]  }
0x2e: {  	s3 =	simm.s32 @!p0 $0x1082;
	s9 =	sld [smem:$0x3FA6]  }
0x2f: {  	lr =	sadd.s32 s0, s3;
	s0 =	sld [smem:$0x3F9D]  }
0x30: {  	s3 =	sld [smem:$0x3FA0]  }
0x31: {  	[smem:$0x3FA9] =	sst s10  }
0x32: {  	s10 =	sld [smem:$0x3FA7];
	_ =	sdelay $0x3  }
0x33: {  	p0 =	seq.s32 s10, $0x1;
	s10 =	sld [smem:$0x3FA9];
	_ =	sdelay $0x3  }
0x34: {  	[smem:$0x3FA9] =	sst s10  }
0x35: {  	s10 =	sld [smem:$0x3FA8];
	_ =	sdelay $0x3  }
0x36: {  	p1 =	seq.s32 s10, $0x1;
	s10 =	sld [smem:$0x3FA9];
	_ =	sdelay $0x3  }
0x37: {  	[smem:$0x3FA9] =	sst s10  }
0x38: {  	s10 =	sld [smem:$0x3FAA]  }
0x39: {  	_ = 	snop;
	(pc) =	sbr.ind lr, $3  }
0x3a: {  	_ = 	snop  }
0x3b: {  	_ = 	snop  }
0x3c: {  	p2 =	seq.s32 s10, $0x1;
	s10 =	sld [smem:$0x3FA9]  }
0x3d: {  	_ =	shalt  }
0x3e: {  	_ =	shalt  }
0x3f: {  	_ =	shalt  }
0x40: {  	_ =	shalt  }
0x41: {  	_ =	shalt  }
0x42: {  	_ =	shalt  }
0x43: {  	_ =	shalt  }
0x44: {  	_ =	shalt  }
0x45: {  	_ =	shalt  }
0x46: {  	_ =	shalt  }
0x47: {  	_ =	shalt  }
0x48: {  	_ =	shalt  }
0x49: {  	_ =	shalt  }
0x4a: {  	_ =	shalt  }
0x4b: {  	_ =	shalt  }
0x4c: {  	_ =	shalt  }
0x4d: {  	_ =	shalt  }
0x4e: {  	_ =	shalt  }
0x4f: {  	_ =	shalt  }
0x50: {  	_ =	shalt  }
0x51: {  	_ =	shalt  }
0x52: {  	_ =	shalt  }
0x53: {  	_ =	shalt  }
0x54: {  	_ =	shalt  }
0x55: {  	_ =	shalt  }
0x56: {  	_ =	shalt  }
0x57: {  	_ =	shalt  }
0x58: {  	_ =	shalt  }
0x59: {  	_ =	shalt  }
0x5a: {  	_ =	shalt  }
0x5b: {  	_ =	shalt  }
0x5c: {  	_ =	shalt  }
0x5d: {  	_ =	shalt  }
0x5e: {  	_ =	shalt  }
0x5f: {  	_ =	shalt  }
0x60: {  	_ =	shalt  }
0x61: {  	_ =	shalt  }
0x62: {  	_ =	shalt  }
0x63: {  	_ =	shalt  }
0x64: {  	_ =	shalt  }
0x65: {  	_ =	shalt  }
0x66: {  	_ =	shalt  }
0x67: {  	_ =	shalt  }
0x68: {  	_ =	shalt  }
0x69: {  	_ =	shalt  }
0x6a: {  	_ =	shalt  }
0x6b: {  	_ =	shalt  }
0x6c: {  	_ =	shalt  }
0x6d: {  	_ =	shalt  }
0x6e: {  	_ =	shalt  }
0x6f: {  	_ =	shalt  }
0x70: {  	_ =	shalt  }
0x71: {  	_ =	shalt  }
0x72: {  	_ =	shalt  }
0x73: {  	_ =	shalt  }
0x74: {  	_ =	shalt  }
0x75: {  	_ =	shalt  }
0x76: {  	_ =	shalt  }
0x77: {  	_ =	shalt  }
0x78: {  	_ =	shalt  }
0x79: {  	_ =	shalt  }
0x7a: {  	_ =	shalt  }
0x7b: {  	_ =	shalt  }
0x7c: {  	_ =	shalt  }
0x7d: {  	_ =	shalt  }
0x7e: {  	_ =	shalt  }
0x7f: {  	_ =	shalt  }
0x80: {  	_ =	shalt  }
0x81: {  	_ =	shalt  }
0x82: {  	_ =	shalt  }
0x83: {  	_ =	shalt  }
0x84: {  	_ =	shalt  }
0x85: {  	_ =	shalt  }
0x86: {  	_ =	shalt  }
0x87: {  	_ =	shalt  }
.Lfunc_end0:
.L_simem_size_0:
called_computation_lowered:
.L_overlay_start_0:
0x88: {  	s2 =	sld [smem:$0x3FD9]  }
0x89: {  	s3 =	sld [smem:$0x3FFE];
	_ =	sdelay $0x1  }
0x8a: {  	s1 =	srdreg.scid  }
0x8b: {  	s0 =	sand.u32 $0x1, s1  }
0x8c: {  	s17 =	sshll.u32 s0, $0xA;
	s2 =	sadd.s32 s3, s2  }
0x8d: {  	s2 =	sadd.s32 s2, s17  }
0x8e: {  	[smem:$0x3FB5] =	sst s2  }
0x8f: {  	_ = 	snop  }
0x90: {  	s2 =	sld [smem:$0x3FD0];
	(tm) =	ssettm $0x1  }
0x91: {  	s18 =	sld [smem:$0x3FFB];
	_ =	sdelay $0x3  }
0x92: {  	_ =	strace s18  }
0x93: {  	s3 =	sld [smem:$0x3FFC];
	_ =	sdelay $0x3  }
0x94: {  	_ =	strace s3  }
0x95: {  	s3 =	sld [smem:$0x3FFD];
	_ =	sdelay $0x3  }
0x96: {  	_ =	strace s3  }
0x97: {  	_ =	strace $0x8FFFFFFF  }
0x98: {  	s19 =	sld [smem:$0x3FDB];
	_ =	sdelay $0x1  }
0x99: {  	s4 =	simm.s32 $_scs_section_size  }
0x9a: {  	s5 =	simm.s32 $_size__tile_overlayer_lowered;
	s6 =	simm.s32 $_tile_overlayer_lowered  }
0x9b: {  	s22 =	simm.s32 $0x1BFF;
	s21 =	sshll.u32 s6, $0x1;
	s3 =	sadd.s32 s4, s19  }
0x9c: {  	s7 =	simm.s32 $0x0;
	s20 =	sshll.u32 s5, $0x1;
	s5 =	sadd.s32 s21, s3  }
0x9d: {  	[timem:s7], [sflag:s22] =	dma.local [hbm:s5], s20  }
0x9e: {  	_ =	swait.ge [sflag:s22], s20  }
0x9f: {  	s4 =	ssub.s32 $0x0, s20;
	[sflag:s22] =	ssyncset.done $0x0  }
0xa0: {  	[sflag:s22] =	ssyncadd.s32 s4;
	_ =	sdelay $0x1  }
0xa1: {  	s23 =	simm.s32 $0x1B8B  }
0xa2: {  	_ =	swait.ge [sflag:s23], $0x1  }
0xa3: {  	[sflag:s23] =	ssyncset.done $0x0  }
0xa4: {  	s25 =	simm.s32 $0x1B8E;
	s24 =	sld [smem:$0x3FFE];
	[sflag:s23] =	ssyncadd.s32 $0xFFFFFFFF  }
0xa5: {  	s26 =	simm.s32 $execute0_lowered;
	[smem:$0x3FD2] =	sst s25  }
0xa6: {  	s5 =	sshll.u32 s26, $0x1;
	_ =	strace $0x80000046;
	[dreg:$0x1] =	wrdreg $0xFFFFFFFF  }
0xa7: {  	s28 =	simm.s32 $_size_execute0_lowered;
	s3 =	sadd.s32 s3, s5;
	[dreg:$0x0] =	wrdreg $0x0  }
0xa8: {  	s5 =	sshll.u32 s28, $0x1;
	[dreg:$0x2] =	wrdreg s3  }
0xa9: {  	[dreg:$0x3] =	wrdreg s5  }
0xaa: {  	[dreg:$0x4] =	wrdreg $0xC0  }
0xab: {  	_ =	task [dreg:s7], $0x5FFFF  }
0xac: {  	[dreg:$0x1] =	wrdreg $0xFFFFFFFF  }
0xad: {  	[dreg:$0x0] =	wrdreg $0x60  }
0xae: {  	[dreg:$0x2] =	wrdreg s24  }
0xaf: {  	[dreg:$0x3] =	wrdreg s2  }
0xb0: {  	[dreg:$0x4] =	wrdreg $0x9  }
0xb1: {  	_ =	task.clear_ibuf [dreg:s7], $0x5FFFF;
	_ =	strace $0x90000046  }
0xb2: {  	s29 =	simm.s32 $0x9;
	_ =	strace $0x80000048  }
0xb3: {  	_ =	swait.ge [sflag:s29], $0x1  }
0xb4: {  	[sflag:s29] =	ssyncadd.s32 $0xFFFFFFFF  }
0xb5: {  	_ =	strace $0x90000048  }
0xb6: {  	_ =	sfence  }
0xb7: {  	s30 =	sld [smem:$0x0];
	_ =	sdelay $0x2  }
0xb8: {  	s31 =	sshll.u32 s1, $0xD;
	s1 =	sshrl.u32 s1, $0x2  }
0xb9: {  	s3 =	sand.u32 $0x4000, s31;
	s1 =	sadd.s32 s1, s30  }
0xba: {  	s0 =	sor.u32 s3, s0;
	s1 =	sshll.u32 s1, $0x11  }
0xbb: {  	s0 =	sor.u32 s1, s0  }
0xbc: {  	s0 =	sadd.s32 $0x8F2B, s0  }
0xbd: {  	[sflag:s0] =	ssyncadd.remote.s32 $0x1  }
0xbe: {  	_ =	sfence.sel $0xFFFF  }
0xbf: {  	[dreg:$0x0] =	wrdreg $0xFFFFFFFF;
	(pc) =	sbr.abs _section_cstart, $3  }
0xc0: {  	[dreg:$0x1] =	wrdreg $0xFFFFFFFF  }
0xc1: {  	_ =	task.clear_ibuf [dreg:s7], $0x2FFFF;
	_ =	strace $0x9FFFFFFF  }
0xc2: {  	(tm) =	ssettm $0x7FFFFFFF  }
0xc3: {  	_ =	shalt  }
tec
execute0_lowered:
.L_overlay_start_1:
0x0: {  	(tag) =	ssettag $0x1  }
0x1: {  	s0 =	rddreg [dreg:$0x0];
	s2 =	simm.s32 $0x0  }
0x2: {  	[smem:$0x7FF] =	sst s2  }
0x3: {  	s1 =	rddreg [dreg:$0x1];
	v0 =	vlaneseq.u32;
	_ =	strace $0x80000047  }
0x4: {  	(xrf1) =	vunique.msk.u32 $0xffff, v0;
	_ =	sdelay $0xd  }
0x5: {  	_, v1, _ =	vpop (xrf1)  }
0x6: {  	v1 =	vxor.u32 $0x80000000, v1  }
0x7: {  	(xrf0) =	vmin.scan.msk.u32 $0xffff, v1;
	_ =	sdelay $0x5  }
0x8: {  	v1, _, _ =	vpop (xrf0)  }
0x9: {  	(v2sf) =	vpush v1, $0xF;
	_ =	sdelay $0x2  }
0xa: {  	s4 =	srdreg.scid;
	s3 =	stileid.u32;
	s11 =	simm.s32 $0x80  }
0xb: {  	s12 =	simm.s32 $0x400;
	s13 =	simm.s32 $0x3;
	s14 =	simm.s32 $0x9C80  }
0xc: {  	s15 =	simm.s32 $0x1D580;
	s16 =	simm.s32 $0x1DA80;
	s17 =	simm.s32 $0x1DF80  }
0xd: {  	s18 =	simm.s32 $0x1E480;
	s19 =	simm.s32 $0x1;
	s20 =	simm.s32 $0x1E980  }
0xe: {  	s21 =	simm.s32 $0x13900;
	s22 =	simm.s32 $0x2;
	s23 =	simm.s32 $0x1FD80  }
0xf: {  	s24 =	simm.s32 $0x0;
	s5 =	sand.u32 $0x1, s4;
	s6 =	sshrl.u32 s3, $0x2  }
0x10: {  	s26 =	sshll.u32 s3, $0x8;
	s4 =	sadd.s32 $0x50A00, s0;
	s7 =	sshll.u32 s5, $0x7  }
0x11: {  	s8 =	sand.u32 $0x300, s26;
	s9 =	smul.u32 $0x4E400, s6;
	s5 =	ssub.s32 $0x2, s5  }
0x12: {  	s6 =	sshll.u32 s6, $0xA;
	s7 =	sor.u32 s7, s8;
	s29 =	sshrl.u32 s5, $0x1  }
.Ltmp0:
0x13: {  	s8 =	sor.u32 s9, s7;
	s6 =	sor.u32 s6, s7;
	(pc) =	sbr.rel .LBB2_1-.Ltmp0, $4  }
0x14: {  	s10 =	ssub.s32 s5, s29;
	s28 =	sshrl.u32 s8, $0x3;
	s6 =	sshrl.u32 s6, $0x3  }
0x15: {  	s10 =	smax.u32 s10, $0x1;
	s7 =	sadd.s32 s28, s0;
	s30 =	sadd.s32 s6, s0  }
0x16: {  	v2 =	vimm.f32 $1.000000000e+00;
	s5 =	sadd.s32 $0x2600, s7;
	s6 =	sadd.s32 $0x29800, s7;
	s31 =	spop (v2sf)  }
0x17: {  	vm0 =	vmxor vm0, vm0;
	v3 =	vimm.s32 $0x0;
	s8 =	sadd.s32 $0x81A00, s30;
	s9 =	sadd.s32 $0x5A800, s7;
	v1 =	vimm.f32 $-Inf;
	s0 =	sxor.u32 $0x80000000, s31  }
.LBB2_25:
0x18: {  	[tilespmem:$0x1FD80] =	vst v11  }
0x19: {  	[tilespmem:$0x1FD90] =	vst v10  }
0x1a: {  	[tilespmem:$0x1FDA0] =	vst v9  }
0x1b: {  	[tilespmem:$0x1FDB0] =	vst v8  }
0x1c: {  	[tilespmem:$0x1FDC0] =	vst v7  }
0x1d: {  	[tilespmem:$0x1FDD0] =	vst v6  }
0x1e: {  	[tilespmem:$0x1FDE0] =	vst v5  }
0x1f: {  	[tilespmem:$0x1FDF0] =	vst v4  }
0x20: {  	[hbm4b:s8+s2] =	stream.linear.scatter [tilespmem:s23], [sflag:$0x3], $0x80, $0x38;
	[tilespmem:$0x1FE00] =	vst v63  }
0x21: {  	s24 =	sadd.s32 $0x1, s24;
	_ =	swait.ge [sflag:s13], $0x80  }
0x22: {  	p0 =	sne.s32 s24, s10;
	[sflag:s13] =	ssyncset.done $0x0  }
.Ltmp1:
0x23: {  	[sflag:s13] =	ssyncadd.s32 $0xFFFFFF80;
	(pc) =	sbr.rel @!p0 .LBB2_26-.Ltmp1, $4  }
0x24: {  	[hbm4b:s9+s11] =	stream.strided.scatter [tilespmem:s21], [sflag:$0x3], $0x9C80, s12, s11, $0x38;
	[tilespmem:$0x1FE00] =	vst v63  }
0x25: {  	_ =	swait.ge [sflag:s13], $0x9C80  }
0x26: {  	[sflag:s13] =	ssyncset.done $0x0  }
0x27: {  	[sflag:s13] =	ssyncadd.s32 $0xFFFF6380  }
.LBB2_1:
0x28: {  	[tilespmem:s2], [sflag:$0x3] =	stream.strided.gather [hbm4b:s5+s11], $0x9C80, s12, s11, $0x38;
	[tilespmem:$0x1FE00] =	vst v63  }
0x29: {  	_ =	swait.ge [sflag:s13], $0x9C80  }
0x2a: {  	[sflag:s13] =	ssyncset.done $0x0  }
0x2b: {  	[sflag:s13] =	ssyncadd.s32 $0xFFFF6380  }
0x2c: {  	[tilespmem:s14], [sflag:$0x3] =	stream.strided.gather [hbm4b:s6+s11], $0x9C80, s12, s11, $0x38;
	[tilespmem:$0x1FE00] =	vst v63  }
0x2d: {  	_ =	swait.ge [sflag:s13], $0x9C80  }
0x2e: {  	[sflag:s13] =	ssyncset.done $0x0  }
0x2f: {  	s7 =	simm.s32 $0x40;
	s25 =	simm.s32 $0x0;
	[sflag:s13] =	ssyncadd.s32 $0xFFFF6380  }
.LBB2_2:
0x30: {  	p0 =	sne.s32 s7, $0x270C0;
	[tilespmem:s25+$0x13900] =	vst v1;
	s25 =	smov.u32 s7;
	s7 =	sadd.s32 $0x40, s7  }
.Ltmp2:
0x31: {  	(pc) =	sbr.rel @p0 .LBB2_2-.Ltmp2, $2  }
0x32: {  	_ =	sdelay $0x2  }
0x33: {  	s25 =	sshra.s32 s25, $0x2  }
.Ltmp3:
0x34: {  	(pc) =	sbr.rel .LBB2_4-.Ltmp3, $4  }
0x35: {  	[tilespmem:s25+$0x13900] =	vst v1;
	s25 =	simm.s32 $0x0  }
0x36: {  	v4 =	vimm.f32 $0.0e+00;
	v5 =	vimm.f32 $0.0e+00;
	[tilespmem:s15], [sflag:$0x1] =	stream.linear.gather [hbm4b:s4+s25], $0x500, $0x38;
	[tilespmem:$0x1FE00] =	vst v63  }
0x37: {  	v6 =	vimm.f32 $0.0e+00;
	v7 =	vimm.f32 $0.0e+00;
	v8 =	vimm.f32 $0.0e+00;
	s26 =	simm.s32 $0x0  }
0x38: {  	v9 =	vimm.f32 $0.0e+00;
	v10 =	vimm.f32 $0.0e+00;
	v11 =	vimm.f32 $0.0e+00;
	[tilespmem:s16], [sflag:$0x1] =	stream.linear.gather [hbm4b:s1+s25], $0x500, $0x38;
	[tilespmem:$0x1FE00] =	vst v63  }
.LBB2_24:
0x39: {  	s26 =	sadd.s32 $0x1, s26  }
0x3a: {  	p0 =	sne.s32 s26, $0x7D  }
.Ltmp4:
0x3b: {  	_ = 	snop;
	(pc) =	sbr.rel @!p0 .LBB2_25-.Ltmp4, $1  }
0x3c: {  	_ =	sdelay $0x3  }
.LBB2_4:
0x3d: {  	s28 =	smul.u32 $0xA00, s26;
	_ =	sdelay $0x1  }
0x3e: {  	s7 =	sshrl.u32 s28, $0x3  }
0x3f: {  	s7 =	sadd.s32 $0xA0, s7  }
0x40: {  	s29 =	sadd.s32 s4, s7  }
0x41: {  	[tilespmem:s17], [sflag:$0x2] =	stream.linear.gather [hbm4b:s29+s25], $0x500, $0x38;
	[tilespmem:$0x1FE00] =	vst v63  }
0x42: {  	s7 =	sadd.s32 s1, s7  }
0x43: {  	[tilespmem:s18], [sflag:$0x2] =	stream.linear.gather [hbm4b:s7+s25], $0x500, $0x38;
	[tilespmem:$0x1FE00] =	vst v63  }
0x44: {  	_ =	swait.ge [sflag:s19], $0x500  }
0x45: {  	[sflag:s19] =	ssyncset.done $0x0  }
0x46: {  	[sflag:s19] =	ssyncadd.s32 $0xFFFFFB00  }
0x47: {  	_ =	swait.ge [sflag:s19], $0x500  }
0x48: {  	[sflag:s19] =	ssyncset.done $0x0  }
0x49: {  	[sflag:s19] =	ssyncadd.s32 $0xFFFFFB00  }
0x4a: {  	v20 =	vld [tilespmem:$0x1DA80];
	_ =	sdelay $0x4  }
0x4b: {  	v14 =	vshrl.u32 v20, $0x3;
	_ =	sdelay $0x2  }
0x4c: {  	v13 =	vld [tilespmem:$0x1D580]  }
0x4d: {  	v19 =	vld [tilespmem:$0x1D590]  }
0x4e: {  	v12 =	vld [tilespmem:$0x1DA90];
	[tilespmem:v14+s20+$0x0] =	vst.idx.msk $0xffff, v0  }
0x4f: {  	v14 =	vld.idx.msk [tilespmem:v14+s20+$0x0], $0xffff;
	_ =	sdelay $0x4  }
0x50: {  	vm1 =	veq.s32 v14, v0  }
0x51: {  	v14 =	vsel vm1, $0x0, v2  }
0x52: {  	(xrf0) =	vmax.scan.msk.f32 $0xffff, v14;
	_ =	sdelay $0x5  }
0x53: {  	v14, _, _ =	vpop (xrf0)  }
0x54: {  	(v2sf) =	vpush v14, $0xF;
	_ =	sdelay $0xa  }
.Ltmp5:
0x55: {  	_ = 	snop;
	(pc) =	sbr.rel .LBB2_5-.Ltmp5, $2  }
0x56: {  	_ =	sdelay $0x2  }
0x57: {  	s29 =	simm.s32 $0x0;
	s31 =	spop (v2sf)  }
.LBB2_13:
0x58: {  	v12 =	vmul.f32 v17, v17;
	_ =	sdelay $0x1  }
0x59: {  	v7 =	vadd.f32 v12, v7;
	v12 =	vmul.f32 v15, v15  }
0x5a: {  	v20 =	vmul.f32 v18, v18;
	v11 =	vadd.f32 v17, v11;
	v10 =	vadd.f32 v18, v10  }
0x5b: {  	v9 =	vadd.f32 v15, v9;
	v5 =	vadd.f32 v12, v5;
	v12 =	vmul.f32 v26, v26  }
0x5c: {  	p0 =	slt.u32 s29, $0x4E;
	v17 =	vmul.f32 v16, v16;
	v8 =	vadd.f32 v16, v8;
	v6 =	vadd.f32 v20, v6  }
.Ltmp6:
0x5d: {  	v15 =	vmul.f32 v27, v27;
	v7 =	vadd.f32 v12, v7;
	v12 =	vmul.f32 v24, v24;
	(pc) =	sbr.rel @!p0 .LBB2_14-.Ltmp6, $4  }
0x5e: {  	v4 =	vadd.f32 v17, v4;
	v11 =	vadd.f32 v26, v11  }
0x5f: {  	v10 =	vadd.f32 v27, v10;
	v6 =	vadd.f32 v15, v6;
	v15 =	vmul.f32 v25, v25  }
0x60: {  	v9 =	vadd.f32 v24, v9;
	v8 =	vadd.f32 v25, v8  }
0x61: {  	s29 =	smov.u32 s30;
	v20 =	vmovc v14;
	v4 =	vadd.f32 v15, v4;
	v5 =	vadd.f32 v12, v5;
	v12 =	vmov v22  }
.LBB2_5:
0x62: {  	v14 =	vshrl.u32 v12, $0x3;
	_ =	sdelay $0x4  }
0x63: {  	[tilespmem:v14+s20+$0x0] =	vst.idx.msk $0xffff, v0  }
0x64: {  	v14 =	vld.idx.msk [tilespmem:v14+s20+$0x0], $0xffff;
	_ =	sdelay $0x4  }
0x65: {  	vm1 =	veq.s32 v14, v0  }
0x66: {  	v14 =	vsel vm1, $0x0, v2  }
0x67: {  	(xrf0) =	vmax.scan.msk.f32 $0xffff, v14;
	_ =	sdelay $0x1  }
0x68: {  	v15 =	vadd.s32 $0x2, v13  }
0x69: {  	v22 =	vadd.s32 $0x2, v20  }
0x6a: {  	v23 =	vadd.s32 $0x3, v20  }
0x6b: {  	p0 =	sgt.f32 s31, $0.0e+00;
	v16 =	vld.idx.msk [tilespmem:v13+s2+$0x0], $0xffff;
	v14 =	vadd.s32 $0x1, v13  }
0x6c: {  	v21 =	vadd.s32 $0x1, v20;
	v18 =	vld.idx.msk [tilespmem:v20+s14+$0x0], $0xffff;
	vm1 =	vmmov vm0;
	v17, _, _ =	vpop (xrf0)  }
0x6d: {  	v15 =	vld.idx.msk [tilespmem:v15+s2+$0x0], $0xffff;
	v13 =	vadd.s32 $0x3, v13;
	vm1 =	vmneg @p0 vm1;
	(v2sf) =	vpush v17, $0xF  }
0x6e: {  	v25 =	vld.idx.msk [tilespmem:v22+s14+$0x0], $0xffff;
	vm1 =	vmneg vm1  }
0x6f: {  	v27 =	vld.idx.msk [tilespmem:v23+s14+$0x0], $0xffff;
	v24 =	vsel vm1, $0x1, v3  }
0x70: {  	v24 =	vbroadcast v24, $0x0;
	v14 =	vld.idx.msk [tilespmem:v14+s2+$0x0], $0xffff  }
0x71: {  	v17 =	vld.idx.msk [tilespmem:v21+s14+$0x0], $0xffff  }
0x72: {  	v26 =	vld.idx.msk [tilespmem:v13+s2+$0x0], $0xffff;
	v13 =	vand.u32 $0x1, v24  }
0x73: {  	v60 =	vld.idx.msk [tilespmem:v20+s21+$0x0], $0xffff;
	vm1 =	veq.s32 v13, $0x1  }
0x74: {  	v28 =	vld.idx.msk [tilespmem:v21+s21+$0x0], $0xffff  }
0x75: {  	s30 =	sadd.s32 $0x2, s29;
	v29 =	vld.idx.msk [tilespmem:v22+s21+$0x0], $0xffff;
	v16 =	vsub.f32 v16, v18  }
0x76: {  	s7 =	smin.u32 s30, $0x4F;
	v30 =	vld.idx.msk [tilespmem:v23+s21+$0x0], $0xffff;
	v18 =	vsub.f32 v14, v17  }
0x77: {  	s7 =	sshll.u32 s7, $0x4;
	v15 =	vsub.f32 v15, v25;
	v17 =	vmax.f32 v16, $0.0e+00  }
.Ltmp7:
0x78: {  	v13 =	vld [tilespmem:s7+$0x1D580];
	v16 =	vsub.f32 v26, v27;
	v24 =	vmax.f32 v60, v17;
	v18 =	vmax.f32 v18, $0.0e+00;
	(pc) =	sbr.rel @!p0 .LBB2_9-.Ltmp7, $4  }
0x79: {  	v15 =	vmax.f32 v15, $0.0e+00;
	v14 =	vld [tilespmem:s7+$0x1DA80];
	[tilespmem:v20+s21+$0x0] =	vst.idx.msk vm1, v24;
	v61 =	vmax.f32 v28, v18  }
0x7a: {  	v62 =	vmax.f32 v29, v15;
	v16 =	vmax.f32 v16, $0.0e+00;
	[tilespmem:v21+s21+$0x0] =	vst.idx.msk vm1, v61  }
0x7b: {  	v63 =	vmax.f32 v30, v16;
	[tilespmem:v22+s21+$0x0] =	vst.idx.msk vm1, v62  }
0x7c: {  	[tilespmem:v23+s21+$0x0] =	vst.idx.msk vm1, v63;
	s31 =	spop (v2sf)  }
0x7d: {  	(xrf1) =	vunique.msk.u32 $0xffff, v20;
	_ =	sdelay $0xd  }
0x7e: {  	s7 =	smov.u32 s0;
	_, v24, _ =	vpop (xrf1)  }
.LBB2_7:
0x7f: {  	vm1 =	vlt.s32 v24, s7  }
0x80: {  	v25 =	vsel vm1, $0x0, v2  }
0x81: {  	(xrf0) =	vmax.scan.msk.f32 $0xffff, v25;
	_ =	sdelay $0x5  }
0x82: {  	v25, _, _ =	vpop (xrf0)  }
0x83: {  	(v2sf) =	vpush v25, $0xF;
	_ =	sdelay $0xe  }
0x84: {  	s3 =	spop (v2sf)  }
0x85: {  	p0 =	sgt.f32 s3, $0.0e+00  }
.Ltmp8:
0x86: {  	_ = 	snop;
	(pc) =	sbr.rel @!p0 .LBB2_9-.Ltmp8, $1  }
0x87: {  	_ =	sdelay $0x3  }
0x88: {  	_ =	sdelay $0x2  }
0x89: {  	v25 =	vmov s7  }
0x8a: {  	vm1 =	veq.s32 v24, v25;
	v25 =	vld.idx.msk [tilespmem:v20+s21+$0x0], $0xffff;
	_ =	sdelay $0x4  }
0x8b: {  	v25 =	vmax.f32 v25, v17  }
0x8c: {  	[tilespmem:v20+s21+$0x0] =	vst.idx.msk vm1, v25  }
0x8d: {  	v25 =	vld.idx.msk [tilespmem:v21+s21+$0x0], $0xffff;
	_ =	sdelay $0x4  }
0x8e: {  	v25 =	vmax.f32 v25, v18  }
0x8f: {  	[tilespmem:v21+s21+$0x0] =	vst.idx.msk vm1, v25  }
0x90: {  	v25 =	vld.idx.msk [tilespmem:v22+s21+$0x0], $0xffff;
	_ =	sdelay $0x4  }
0x91: {  	v25 =	vmax.f32 v25, v15  }
0x92: {  	[tilespmem:v22+s21+$0x0] =	vst.idx.msk vm1, v25  }
0x93: {  	v25 =	vld.idx.msk [tilespmem:v23+s21+$0x0], $0xffff;
	_ =	sdelay $0x1  }
.Ltmp9:
0x94: {  	_ = 	snop;
	(pc) =	sbr.rel .LBB2_7-.Ltmp9, $3  }
0x95: {  	_ =	sdelay $0x1  }
0x96: {  	v25 =	vmax.f32 v25, v16  }
0x97: {  	s7 =	sadd.s32 $0x1, s7;
	[tilespmem:v23+s21+$0x0] =	vst.idx.msk vm1, v25  }
.LBB2_9:
0x98: {  	_ = 	snop  }
0x99: {  	v20 =	vshrl.u32 v14, $0x3;
	_ =	sdelay $0x4  }
0x9a: {  	[tilespmem:v20+s20+$0x0] =	vst.idx.msk $0xffff, v0  }
0x9b: {  	v20 =	vld.idx.msk [tilespmem:v20+s20+$0x0], $0xffff;
	_ =	sdelay $0x4  }
0x9c: {  	vm1 =	veq.s32 v20, v0  }
0x9d: {  	v20 =	vsel vm1, $0x0, v2  }
0x9e: {  	(xrf0) =	vmax.scan.msk.f32 $0xffff, v20;
	_ =	sdelay $0x1  }
0x9f: {  	v22 =	vadd.s32 $0x1, v19  }
0xa0: {  	v24 =	vadd.s32 $0x2, v19  }
0xa1: {  	v21 =	vadd.s32 $0x2, v12  }
0xa2: {  	p0 =	sgt.f32 s31, $0.0e+00;
	v25 =	vld.idx.msk [tilespmem:v19+s2+$0x0], $0xffff;
	v19 =	vadd.s32 $0x3, v19  }
0xa3: {  	v26 =	vld.idx.msk [tilespmem:v12+s14+$0x0], $0xffff;
	vm1 =	vmmov vm0;
	v20 =	vadd.s32 $0x1, v12;
	v23, _, _ =	vpop (xrf0)  }
0xa4: {  	v22 =	vld.idx.msk [tilespmem:v22+s2+$0x0], $0xffff;
	vm1 =	vmneg @p0 vm1;
	(v2sf) =	vpush v23, $0xF  }
0xa5: {  	v24 =	vld.idx.msk [tilespmem:v24+s2+$0x0], $0xffff;
	vm1 =	vmneg vm1;
	v23 =	vadd.s32 $0x3, v12  }
0xa6: {  	v29 =	vld.idx.msk [tilespmem:v21+s14+$0x0], $0xffff;
	v28 =	vsel vm1, $0x1, v3  }
0xa7: {  	v30 =	vld.idx.msk [tilespmem:v19+s2+$0x0], $0xffff;
	v28 =	vbroadcast v28, $0x0  }
0xa8: {  	v27 =	vld.idx.msk [tilespmem:v20+s14+$0x0], $0xffff  }
0xa9: {  	v19 =	vand.u32 $0x1, v28;
	v28 =	vld.idx.msk [tilespmem:v12+s21+$0x0], $0xffff  }
0xaa: {  	vm1 =	veq.s32 v19, $0x1;
	v31 =	vld.idx.msk [tilespmem:v23+s14+$0x0], $0xffff  }
0xab: {  	v32 =	vld.idx.msk [tilespmem:v20+s21+$0x0], $0xffff  }
0xac: {  	p1 =	slt.s32 s29, $0x4C;
	s3 =	smov.u32 s29;
	v33 =	vld.idx.msk [tilespmem:v21+s21+$0x0], $0xffff;
	v25 =	vsub.f32 v25, v26  }
0xad: {  	s3 =	simm.s32 @!p1 $0x4C;
	v27 =	vsub.f32 v22, v27;
	v34 =	vld.idx.msk [tilespmem:v23+s21+$0x0], $0xffff  }
0xae: {  	s3 =	sshll.u32 s3, $0x4;
	v24 =	vsub.f32 v24, v29;
	v26 =	vmax.f32 v25, $0.0e+00  }
.Ltmp10:
0xaf: {  	v19 =	vld [tilespmem:s3+$0x1D5B0];
	v28 =	vmax.f32 v28, v26;
	v27 =	vmax.f32 v27, $0.0e+00;
	v25 =	vsub.f32 v30, v31;
	(pc) =	sbr.rel @!p0 .LBB2_13-.Ltmp10, $4  }
0xb0: {  	v24 =	vmax.f32 v24, $0.0e+00;
	v22 =	vld [tilespmem:s3+$0x1DAB0];
	[tilespmem:v12+s21+$0x0] =	vst.idx.msk vm1, v28;
	v28 =	vmax.f32 v32, v27  }
0xb1: {  	[tilespmem:v20+s21+$0x0] =	vst.idx.msk vm1, v28;
	v28 =	vmax.f32 v33, v24;
	v25 =	vmax.f32 v25, $0.0e+00  }
0xb2: {  	[tilespmem:v21+s21+$0x0] =	vst.idx.msk vm1, v28;
	v28 =	vmax.f32 v34, v25  }
0xb3: {  	[tilespmem:v23+s21+$0x0] =	vst.idx.msk vm1, v28;
	s31 =	spop (v2sf)  }
0xb4: {  	(xrf1) =	vunique.msk.u32 $0xffff, v12;
	_ =	sdelay $0xd  }
0xb5: {  	s7 =	smov.u32 s0;
	_, v28, _ =	vpop (xrf1)  }
.LBB2_11:
0xb6: {  	vm1 =	vlt.s32 v28, s7  }
0xb7: {  	v29 =	vsel vm1, $0x0, v2  }
0xb8: {  	(xrf0) =	vmax.scan.msk.f32 $0xffff, v29;
	_ =	sdelay $0x5  }
0xb9: {  	v29, _, _ =	vpop (xrf0)  }
0xba: {  	(v2sf) =	vpush v29, $0xF;
	_ =	sdelay $0xe  }
0xbb: {  	s3 =	spop (v2sf)  }
0xbc: {  	p0 =	sgt.f32 s3, $0.0e+00  }
.Ltmp11:
0xbd: {  	_ = 	snop;
	(pc) =	sbr.rel @!p0 .LBB2_13-.Ltmp11, $1  }
0xbe: {  	_ =	sdelay $0x3  }
0xbf: {  	_ =	sdelay $0x2  }
0xc0: {  	v29 =	vmov s7  }
0xc1: {  	vm1 =	veq.s32 v28, v29;
	v29 =	vld.idx.msk [tilespmem:v12+s21+$0x0], $0xffff;
	_ =	sdelay $0x4  }
0xc2: {  	v29 =	vmax.f32 v29, v26  }
0xc3: {  	[tilespmem:v12+s21+$0x0] =	vst.idx.msk vm1, v29  }
0xc4: {  	v29 =	vld.idx.msk [tilespmem:v20+s21+$0x0], $0xffff;
	_ =	sdelay $0x4  }
0xc5: {  	v29 =	vmax.f32 v29, v27  }
0xc6: {  	[tilespmem:v20+s21+$0x0] =	vst.idx.msk vm1, v29  }
0xc7: {  	v29 =	vld.idx.msk [tilespmem:v21+s21+$0x0], $0xffff;
	_ =	sdelay $0x4  }
0xc8: {  	v29 =	vmax.f32 v29, v24  }
0xc9: {  	[tilespmem:v21+s21+$0x0] =	vst.idx.msk vm1, v29  }
0xca: {  	v29 =	vld.idx.msk [tilespmem:v23+s21+$0x0], $0xffff;
	_ =	sdelay $0x1  }
.Ltmp12:
0xcb: {  	_ = 	snop;
	(pc) =	sbr.rel .LBB2_11-.Ltmp12, $3  }
0xcc: {  	_ =	sdelay $0x1  }
0xcd: {  	v29 =	vmax.f32 v29, v25  }
0xce: {  	s7 =	sadd.s32 $0x1, s7;
	[tilespmem:v23+s21+$0x0] =	vst.idx.msk vm1, v29  }
.LBB2_14:
0xcf: {  	p0 =	seq.s32 s26, $0x7C  }
0xd0: {  	s3 =	sshrl.u32 @!p0 s28, $0x3  }
0xd1: {  	s3 =	sadd.s32 @!p0 $0x140, s3  }
0xd2: {  	s28 =	simm.s32 @!p0 $0x0;
	s29 =	simm.s32 @!p0 $0x1D580;
	s7 =	sadd.s32 @!p0 s4, s3  }
0xd3: {  	[tilespmem:s29], [sflag:$0x1] =	stream.linear.gather @!p0 [hbm4b:s7+s28], $0x500, $0x38;
	[tilespmem:$0x1FE00] =	vst v63  }
0xd4: {  	s3 =	sadd.s32 @!p0 s1, s3;
	s7 =	simm.s32 @!p0 $0x1DA80  }
0xd5: {  	[tilespmem:s7], [sflag:$0x1] =	stream.linear.gather @!p0 [hbm4b:s3+s28], $0x500, $0x38;
	[tilespmem:$0x1FE00] =	vst v63  }
0xd6: {  	_ =	swait.ge [sflag:s22], $0x500  }
0xd7: {  	[sflag:s22] =	ssyncset.done $0x0  }
0xd8: {  	[sflag:s22] =	ssyncadd.s32 $0xFFFFFB00  }
0xd9: {  	_ =	swait.ge [sflag:s22], $0x500  }
0xda: {  	[sflag:s22] =	ssyncset.done $0x0  }
0xdb: {  	[sflag:s22] =	ssyncadd.s32 $0xFFFFFB00  }
0xdc: {  	v20 =	vld [tilespmem:$0x1E480];
	_ =	sdelay $0x4  }
0xdd: {  	v14 =	vshrl.u32 v20, $0x3;
	_ =	sdelay $0x2  }
0xde: {  	v13 =	vld [tilespmem:$0x1DF80]  }
0xdf: {  	v19 =	vld [tilespmem:$0x1DF90]  }
0xe0: {  	v12 =	vld [tilespmem:$0x1E490];
	[tilespmem:v14+s20+$0x0] =	vst.idx.msk $0xffff, v0  }
0xe1: {  	v14 =	vld.idx.msk [tilespmem:v14+s20+$0x0], $0xffff;
	_ =	sdelay $0x4  }
0xe2: {  	vm1 =	veq.s32 v14, v0  }
0xe3: {  	v14 =	vsel vm1, $0x0, v2  }
0xe4: {  	(xrf0) =	vmax.scan.msk.f32 $0xffff, v14;
	_ =	sdelay $0x5  }
0xe5: {  	v14, _, _ =	vpop (xrf0)  }
0xe6: {  	(v2sf) =	vpush v14, $0xF;
	_ =	sdelay $0xa  }
.Ltmp13:
0xe7: {  	_ = 	snop;
	(pc) =	sbr.rel .LBB2_15-.Ltmp13, $2  }
0xe8: {  	_ =	sdelay $0x2  }
0xe9: {  	s28 =	simm.s32 $0x0;
	s30 =	spop (v2sf)  }
.LBB2_23:
0xea: {  	v12 =	vmul.f32 v17, v17;
	_ =	sdelay $0x1  }
0xeb: {  	v7 =	vadd.f32 v12, v7;
	v12 =	vmul.f32 v15, v15  }
0xec: {  	v20 =	vmul.f32 v18, v18;
	v11 =	vadd.f32 v17, v11;
	v10 =	vadd.f32 v18, v10  }
0xed: {  	v9 =	vadd.f32 v15, v9;
	v5 =	vadd.f32 v12, v5;
	v12 =	vmul.f32 v26, v26  }
0xee: {  	p0 =	slt.u32 s28, $0x4E;
	v17 =	vmul.f32 v16, v16;
	v8 =	vadd.f32 v16, v8;
	v6 =	vadd.f32 v20, v6  }
.Ltmp14:
0xef: {  	v15 =	vmul.f32 v27, v27;
	v7 =	vadd.f32 v12, v7;
	v12 =	vmul.f32 v24, v24;
	(pc) =	sbr.rel @!p0 .LBB2_24-.Ltmp14, $4  }
0xf0: {  	v4 =	vadd.f32 v17, v4;
	v11 =	vadd.f32 v26, v11  }
0xf1: {  	v10 =	vadd.f32 v27, v10;
	v6 =	vadd.f32 v15, v6;
	v15 =	vmul.f32 v25, v25  }
0xf2: {  	v9 =	vadd.f32 v24, v9;
	v8 =	vadd.f32 v25, v8  }
0xf3: {  	s28 =	smov.u32 s29;
	v20 =	vmovc v14;
	v4 =	vadd.f32 v15, v4;
	v5 =	vadd.f32 v12, v5;
	v12 =	vmov v22  }
.LBB2_15:
0xf4: {  	v14 =	vshrl.u32 v12, $0x3;
	_ =	sdelay $0x4  }
0xf5: {  	[tilespmem:v14+s20+$0x0] =	vst.idx.msk $0xffff, v0  }
0xf6: {  	v14 =	vld.idx.msk [tilespmem:v14+s20+$0x0], $0xffff;
	_ =	sdelay $0x4  }
0xf7: {  	vm1 =	veq.s32 v14, v0  }
0xf8: {  	v14 =	vsel vm1, $0x0, v2  }
0xf9: {  	(xrf0) =	vmax.scan.msk.f32 $0xffff, v14;
	_ =	sdelay $0x1  }
0xfa: {  	v15 =	vadd.s32 $0x2, v13  }
0xfb: {  	v22 =	vadd.s32 $0x2, v20  }
0xfc: {  	v23 =	vadd.s32 $0x3, v20  }
0xfd: {  	p0 =	sgt.f32 s30, $0.0e+00;
	v16 =	vld.idx.msk [tilespmem:v13+s2+$0x0], $0xffff;
	v14 =	vadd.s32 $0x1, v13  }
0xfe: {  	v21 =	vadd.s32 $0x1, v20;
	v18 =	vld.idx.msk [tilespmem:v20+s14+$0x0], $0xffff;
	vm1 =	vmmov vm0;
	v17, _, _ =	vpop (xrf0)  }
0xff: {  	v15 =	vld.idx.msk [tilespmem:v15+s2+$0x0], $0xffff;
	v13 =	vadd.s32 $0x3, v13;
	vm1 =	vmneg @p0 vm1;
	(v2sf) =	vpush v17, $0xF  }
0x100: {  	v25 =	vld.idx.msk [tilespmem:v22+s14+$0x0], $0xffff;
	vm1 =	vmneg vm1  }
0x101: {  	v27 =	vld.idx.msk [tilespmem:v23+s14+$0x0], $0xffff;
	v24 =	vsel vm1, $0x1, v3  }
0x102: {  	v24 =	vbroadcast v24, $0x0;
	v14 =	vld.idx.msk [tilespmem:v14+s2+$0x0], $0xffff  }
0x103: {  	v17 =	vld.idx.msk [tilespmem:v21+s14+$0x0], $0xffff  }
0x104: {  	v26 =	vld.idx.msk [tilespmem:v13+s2+$0x0], $0xffff;
	v13 =	vand.u32 $0x1, v24  }
0x105: {  	v60 =	vld.idx.msk [tilespmem:v20+s21+$0x0], $0xffff;
	vm1 =	veq.s32 v13, $0x1  }
0x106: {  	v28 =	vld.idx.msk [tilespmem:v21+s21+$0x0], $0xffff  }
0x107: {  	s29 =	sadd.s32 $0x2, s28;
	v29 =	vld.idx.msk [tilespmem:v22+s21+$0x0], $0xffff;
	v16 =	vsub.f32 v16, v18  }
0x108: {  	s3 =	smin.u32 s29, $0x4F;
	v30 =	vld.idx.msk [tilespmem:v23+s21+$0x0], $0xffff;
	v18 =	vsub.f32 v14, v17  }
0x109: {  	s3 =	sshll.u32 s3, $0x4;
	v15 =	vsub.f32 v15, v25;
	v17 =	vmax.f32 v16, $0.0e+00  }
.Ltmp15:
0x10a: {  	v13 =	vld [tilespmem:s3+$0x1DF80];
	v16 =	vsub.f32 v26, v27;
	v24 =	vmax.f32 v60, v17;
	v18 =	vmax.f32 v18, $0.0e+00;
	(pc) =	sbr.rel @!p0 .LBB2_19-.Ltmp15, $4  }
0x10b: {  	v15 =	vmax.f32 v15, $0.0e+00;
	v14 =	vld [tilespmem:s3+$0x1E480];
	[tilespmem:v20+s21+$0x0] =	vst.idx.msk vm1, v24;
	v61 =	vmax.f32 v28, v18  }
0x10c: {  	v62 =	vmax.f32 v29, v15;
	v16 =	vmax.f32 v16, $0.0e+00;
	[tilespmem:v21+s21+$0x0] =	vst.idx.msk vm1, v61  }
0x10d: {  	v63 =	vmax.f32 v30, v16;
	[tilespmem:v22+s21+$0x0] =	vst.idx.msk vm1, v62  }
0x10e: {  	[tilespmem:v23+s21+$0x0] =	vst.idx.msk vm1, v63;
	s30 =	spop (v2sf)  }
0x10f: {  	(xrf1) =	vunique.msk.u32 $0xffff, v20;
	_ =	sdelay $0xd  }
0x110: {  	s7 =	smov.u32 s0;
	_, v24, _ =	vpop (xrf1)  }
.LBB2_17:
0x111: {  	vm1 =	vlt.s32 v24, s7  }
0x112: {  	v25 =	vsel vm1, $0x0, v2  }
0x113: {  	(xrf0) =	vmax.scan.msk.f32 $0xffff, v25;
	_ =	sdelay $0x5  }
0x114: {  	v25, _, _ =	vpop (xrf0)  }
0x115: {  	(v2sf) =	vpush v25, $0xF;
	_ =	sdelay $0xe  }
0x116: {  	s3 =	spop (v2sf)  }
0x117: {  	p0 =	sgt.f32 s3, $0.0e+00  }
.Ltmp16:
0x118: {  	_ = 	snop;
	(pc) =	sbr.rel @!p0 .LBB2_19-.Ltmp16, $1  }
0x119: {  	_ =	sdelay $0x3  }
0x11a: {  	_ =	sdelay $0x2  }
0x11b: {  	v25 =	vmov s7  }
0x11c: {  	vm1 =	veq.s32 v24, v25;
	v25 =	vld.idx.msk [tilespmem:v20+s21+$0x0], $0xffff;
	_ =	sdelay $0x4  }
0x11d: {  	v25 =	vmax.f32 v25, v17  }
0x11e: {  	[tilespmem:v20+s21+$0x0] =	vst.idx.msk vm1, v25  }
0x11f: {  	v25 =	vld.idx.msk [tilespmem:v21+s21+$0x0], $0xffff;
	_ =	sdelay $0x4  }
0x120: {  	v25 =	vmax.f32 v25, v18  }
0x121: {  	[tilespmem:v21+s21+$0x0] =	vst.idx.msk vm1, v25  }
0x122: {  	v25 =	vld.idx.msk [tilespmem:v22+s21+$0x0], $0xffff;
	_ =	sdelay $0x4  }
0x123: {  	v25 =	vmax.f32 v25, v15  }
0x124: {  	[tilespmem:v22+s21+$0x0] =	vst.idx.msk vm1, v25  }
0x125: {  	v25 =	vld.idx.msk [tilespmem:v23+s21+$0x0], $0xffff;
	_ =	sdelay $0x1  }
.Ltmp17:
0x126: {  	_ = 	snop;
	(pc) =	sbr.rel .LBB2_17-.Ltmp17, $3  }
0x127: {  	_ =	sdelay $0x1  }
0x128: {  	v25 =	vmax.f32 v25, v16  }
0x129: {  	s7 =	sadd.s32 $0x1, s7;
	[tilespmem:v23+s21+$0x0] =	vst.idx.msk vm1, v25  }
.LBB2_19:
0x12a: {  	_ = 	snop  }
0x12b: {  	v20 =	vshrl.u32 v14, $0x3;
	_ =	sdelay $0x4  }
0x12c: {  	[tilespmem:v20+s20+$0x0] =	vst.idx.msk $0xffff, v0  }
0x12d: {  	v20 =	vld.idx.msk [tilespmem:v20+s20+$0x0], $0xffff;
	_ =	sdelay $0x4  }
0x12e: {  	vm1 =	veq.s32 v20, v0  }
0x12f: {  	v20 =	vsel vm1, $0x0, v2  }
0x130: {  	(xrf0) =	vmax.scan.msk.f32 $0xffff, v20;
	_ =	sdelay $0x1  }
0x131: {  	v22 =	vadd.s32 $0x1, v19  }
0x132: {  	v24 =	vadd.s32 $0x2, v19  }
0x133: {  	v21 =	vadd.s32 $0x2, v12  }
0x134: {  	p0 =	sgt.f32 s30, $0.0e+00;
	v25 =	vld.idx.msk [tilespmem:v19+s2+$0x0], $0xffff;
	v19 =	vadd.s32 $0x3, v19  }
0x135: {  	v26 =	vld.idx.msk [tilespmem:v12+s14+$0x0], $0xffff;
	vm1 =	vmmov vm0;
	v20 =	vadd.s32 $0x1, v12;
	v23, _, _ =	vpop (xrf0)  }
0x136: {  	v22 =	vld.idx.msk [tilespmem:v22+s2+$0x0], $0xffff;
	vm1 =	vmneg @p0 vm1;
	(v2sf) =	vpush v23, $0xF  }
0x137: {  	v24 =	vld.idx.msk [tilespmem:v24+s2+$0x0], $0xffff;
	vm1 =	vmneg vm1;
	v23 =	vadd.s32 $0x3, v12  }
0x138: {  	v29 =	vld.idx.msk [tilespmem:v21+s14+$0x0], $0xffff;
	v28 =	vsel vm1, $0x1, v3  }
0x139: {  	v30 =	vld.idx.msk [tilespmem:v19+s2+$0x0], $0xffff;
	v28 =	vbroadcast v28, $0x0  }
0x13a: {  	v27 =	vld.idx.msk [tilespmem:v20+s14+$0x0], $0xffff  }
0x13b: {  	v19 =	vand.u32 $0x1, v28;
	v28 =	vld.idx.msk [tilespmem:v12+s21+$0x0], $0xffff  }
0x13c: {  	vm1 =	veq.s32 v19, $0x1;
	v31 =	vld.idx.msk [tilespmem:v23+s14+$0x0], $0xffff  }
0x13d: {  	v32 =	vld.idx.msk [tilespmem:v20+s21+$0x0], $0xffff  }
0x13e: {  	p1 =	slt.s32 s28, $0x4C;
	s3 =	smov.u32 s28;
	v33 =	vld.idx.msk [tilespmem:v21+s21+$0x0], $0xffff;
	v25 =	vsub.f32 v25, v26  }
0x13f: {  	s3 =	simm.s32 @!p1 $0x4C;
	v27 =	vsub.f32 v22, v27;
	v34 =	vld.idx.msk [tilespmem:v23+s21+$0x0], $0xffff  }
0x140: {  	s3 =	sshll.u32 s3, $0x4;
	v24 =	vsub.f32 v24, v29;
	v26 =	vmax.f32 v25, $0.0e+00  }
.Ltmp18:
0x141: {  	v19 =	vld [tilespmem:s3+$0x1DFB0];
	v28 =	vmax.f32 v28, v26;
	v27 =	vmax.f32 v27, $0.0e+00;
	v25 =	vsub.f32 v30, v31;
	(pc) =	sbr.rel @!p0 .LBB2_23-.Ltmp18, $4  }
0x142: {  	v24 =	vmax.f32 v24, $0.0e+00;
	v22 =	vld [tilespmem:s3+$0x1E4B0];
	[tilespmem:v12+s21+$0x0] =	vst.idx.msk vm1, v28;
	v28 =	vmax.f32 v32, v27  }
0x143: {  	[tilespmem:v20+s21+$0x0] =	vst.idx.msk vm1, v28;
	v28 =	vmax.f32 v33, v24;
	v25 =	vmax.f32 v25, $0.0e+00  }
0x144: {  	[tilespmem:v21+s21+$0x0] =	vst.idx.msk vm1, v28;
	v28 =	vmax.f32 v34, v25  }
0x145: {  	[tilespmem:v23+s21+$0x0] =	vst.idx.msk vm1, v28;
	s30 =	spop (v2sf)  }
0x146: {  	(xrf1) =	vunique.msk.u32 $0xffff, v12;
	_ =	sdelay $0xd  }
0x147: {  	s7 =	smov.u32 s0;
	_, v28, _ =	vpop (xrf1)  }
.LBB2_21:
0x148: {  	vm1 =	vlt.s32 v28, s7  }
0x149: {  	v29 =	vsel vm1, $0x0, v2  }
0x14a: {  	(xrf0) =	vmax.scan.msk.f32 $0xffff, v29;
	_ =	sdelay $0x5  }
0x14b: {  	v29, _, _ =	vpop (xrf0)  }
0x14c: {  	(v2sf) =	vpush v29, $0xF;
	_ =	sdelay $0xe  }
0x14d: {  	s3 =	spop (v2sf)  }
0x14e: {  	p0 =	sgt.f32 s3, $0.0e+00  }
.Ltmp19:
0x14f: {  	_ = 	snop;
	(pc) =	sbr.rel @!p0 .LBB2_23-.Ltmp19, $1  }
0x150: {  	_ =	sdelay $0x3  }
0x151: {  	_ =	sdelay $0x2  }
0x152: {  	v29 =	vmov s7  }
0x153: {  	vm1 =	veq.s32 v28, v29;
	v29 =	vld.idx.msk [tilespmem:v12+s21+$0x0], $0xffff;
	_ =	sdelay $0x4  }
0x154: {  	v29 =	vmax.f32 v29, v26  }
0x155: {  	[tilespmem:v12+s21+$0x0] =	vst.idx.msk vm1, v29  }
0x156: {  	v29 =	vld.idx.msk [tilespmem:v20+s21+$0x0], $0xffff;
	_ =	sdelay $0x4  }
0x157: {  	v29 =	vmax.f32 v29, v27  }
0x158: {  	[tilespmem:v20+s21+$0x0] =	vst.idx.msk vm1, v29  }
0x159: {  	v29 =	vld.idx.msk [tilespmem:v21+s21+$0x0], $0xffff;
	_ =	sdelay $0x4  }
0x15a: {  	v29 =	vmax.f32 v29, v24  }
0x15b: {  	[tilespmem:v21+s21+$0x0] =	vst.idx.msk vm1, v29  }
0x15c: {  	v29 =	vld.idx.msk [tilespmem:v23+s21+$0x0], $0xffff;
	_ =	sdelay $0x1  }
.Ltmp20:
0x15d: {  	_ = 	snop;
	(pc) =	sbr.rel .LBB2_21-.Ltmp20, $3  }
0x15e: {  	_ =	sdelay $0x1  }
0x15f: {  	v29 =	vmax.f32 v29, v25  }
0x160: {  	s7 =	sadd.s32 $0x1, s7;
	[tilespmem:v23+s21+$0x0] =	vst.idx.msk vm1, v29  }
.LBB2_26:
0x161: {  	_ =	sfence.sel $0x180000  }
0x162: {  	[bflag:$0x0] =	sbarrier.arrive $0xFFFF  }
0x163: {  	_ =	strace $0x90000047  }
0x164: {  	s0 =	stileid.u32;
	[bflag:$0x2] =	sbarrier.arrive $0xFFFF  }
0x165: {  	p0 =	sne.s32 s0, $0x0;
	s0 =	rddreg [dreg:$0x2]  }
0x166: {  	s0 =	sadd.s32 @!p0 $0x100000, s0  }
0x167: {  	[sflag:s0] =	ssyncadd.tile.s32 @!p0 $0x1;
	_ =	shalt  }
.Lfunc_end2:
_tile_overlayer_lowered:
.L_overlay_start_2:
0x168: {  	(tag) =	ssettag $0x2  }
0x169: {  	s0 =	rddreg [dreg:$0x0];
	s2 =	stileid.u32  }
0x16a: {  	s1 =	rddreg [dreg:$0x1];
	p0 =	sne.s32 s2, $0x0  }
0x16b: {  	s3 =	rddreg [dreg:$0x2];
	[bflag:$0x3] =	sbarrier.arrive $0xFFFF;
	s2 =	simm.s32 @!p0 $0x1C03  }
0x16c: {  	[timem:s3], [sflag:s2] =	dma.local @!p0 [hbm:s0], s1  }
0x16d: {  	s0 =	simm.s32 @!p0 $0x3  }
0x16e: {  	_ =	swait.ge @!p0 [sflag:s0], s1  }
0x16f: {  	s1 =	ssub.s32 @!p0 $0x0, s1;
	[sflag:s0] =	ssyncset.done @!p0 $0x0  }
0x170: {  	[sflag:s0] =	ssyncadd.s32 @!p0 s1  }
0x171: {  	[bflag:$0x3] =	sbarrier.arrive $0xFFFF  }
0x172: {  	_ =	shalt  }

</sc_bundles>
